<compile_context>
chip_gen: v7x
topology: tpu7x:2x2x1
jax: 0.10.2.dev20260603
libtpu: 0.0.44.dev20260713+nightly
codegen_flags: <defaults>
</compile_context>

<pallas_src>
import functools

import jax
import jax.numpy as jnp
from jax import lax
from jax.experimental import pallas as pl
from jax.experimental.pallas import tpu as pltpu
from jax.experimental.pallas import tpu_sc as plsc

N = 10000
E = 320000
D = 128

NC = 2
NS = 16
NW = NC * NS

NP = 10240
PAD_NODE = N
CH = 128
EP = 327680
CPT = EP // (NW * CH)
ROWS_PT = NP // NS

_mesh = plsc.VectorSubcoreMesh(core_axis_name="c", subcore_axis_name="s",
                               num_cores=NC, num_subcores=NS)


@functools.partial(
    pl.kernel,
    out_type=jax.ShapeDtypeStruct((NC * 2 * NP,), jnp.float32),
    mesh=_mesh,
    scratch_types=[
        pltpu.VMEM((CPT, CH), jnp.int32),
        pltpu.VMEM((CPT, CH), jnp.int32),
        pltpu.VMEM((CH,), jnp.float32),
        pltpu.VMEM_SHARED((NP,), jnp.float32),
        pltpu.VMEM_SHARED((NP,), jnp.float32),
        pltpu.SemaphoreType.DMA,
        pltpu.SemaphoreType.DMA,
    ],
)
def _deg_kernel(src_hbm, dst_hbm, ones_hbm, zeros_hbm,
                out, src_v, dst_v, ones_v, hist_s, hist_d, sem_s, sem_d):
  c = lax.axis_index("c")
  s = lax.axis_index("s")
  t = c * NS + s

  rbase = s * ROWS_PT
  pltpu.sync_copy(zeros_hbm.at[pl.ds(rbase, ROWS_PT)],
                  hist_s.at[pl.ds(rbase, ROWS_PT)])
  pltpu.sync_copy(zeros_hbm.at[pl.ds(rbase, ROWS_PT)],
                  hist_d.at[pl.ds(rbase, ROWS_PT)])
  pltpu.sync_copy(ones_hbm, ones_v)
  pltpu.sync_copy(src_hbm.at[t], src_v)
  pltpu.sync_copy(dst_hbm.at[t], dst_v)
  plsc.subcore_barrier()

  def body(j, carry):
    @pl.when(j > 0)
    def _():
      pltpu.make_async_copy(ones_v, hist_s.at[src_v.at[j - 1]], sem_s).wait()
      pltpu.make_async_copy(ones_v, hist_d.at[dst_v.at[j - 1]], sem_d).wait()
    pltpu.async_copy(ones_v, hist_s.at[src_v.at[j]], sem_s, add=True)
    pltpu.async_copy(ones_v, hist_d.at[dst_v.at[j]], sem_d, add=True)
    return carry
  lax.fori_loop(0, CPT, body, 0)
  pltpu.make_async_copy(ones_v, hist_s.at[src_v.at[CPT - 1]], sem_s).wait()
  pltpu.make_async_copy(ones_v, hist_d.at[dst_v.at[CPT - 1]], sem_d).wait()

  plsc.subcore_barrier()
  pltpu.sync_copy(hist_s.at[pl.ds(rbase, ROWS_PT)],
                  out.at[pl.ds(2 * c * NP + rbase, ROWS_PT)])
  pltpu.sync_copy(hist_d.at[pl.ds(rbase, ROWS_PT)],
                  out.at[pl.ds((2 * c + 1) * NP + rbase, ROWS_PT)])


@functools.partial(
    pl.kernel,
    out_type=jax.ShapeDtypeStruct((NC, NP, D), jnp.float32),
    mesh=_mesh,
    scratch_types=[
        pltpu.VMEM((CPT // 2, CH), jnp.int32),
        pltpu.VMEM((CPT // 2, CH), jnp.int32),
        pltpu.VMEM((CH, D), jnp.float32),
        pltpu.VMEM((CH, D), jnp.float32),
        pltpu.VMEM_SHARED((NP, D), jnp.float32),
        pltpu.SemaphoreType.DMA,
        pltpu.SemaphoreType.DMA,
        pltpu.SemaphoreType.DMA,
        pltpu.SemaphoreType.DMA,
    ],
)
def _agg_kernel(h_hbm, src_hbm, dst_hbm, zeros_hbm,
                out, src_v, dst_v, gbuf0, gbuf1, acc,
                semg0, semg1, sems0, sems1):
  c = lax.axis_index("c")
  s = lax.axis_index("s")
  t = c * NS + s
  HC = CPT // 2

  rbase = s * ROWS_PT
  pltpu.sync_copy(zeros_hbm.at[pl.ds(rbase, ROWS_PT)],
                  acc.at[pl.ds(rbase, ROWS_PT)])
  plsc.subcore_barrier()

  def run_half(h):
    pltpu.sync_copy(src_hbm.at[t, pl.ds(h * HC, HC)], src_v)
    pltpu.sync_copy(dst_hbm.at[t, pl.ds(h * HC, HC)], dst_v)
    pltpu.async_copy(h_hbm.at[src_v.at[0]], gbuf0, semg0)

    def body(j2, carry):
      a = 2 * j2
      b = a + 1
      pltpu.async_copy(h_hbm.at[src_v.at[b]], gbuf1, semg1)
      pltpu.make_async_copy(h_hbm.at[src_v.at[a]], gbuf0, semg0).wait()
      pltpu.sync_copy(gbuf0, acc.at[dst_v.at[a]], add=True)

      @pl.when(j2 + 1 < HC // 2)
      def _():
        pltpu.async_copy(h_hbm.at[src_v.at[a + 2]], gbuf0, semg0)

      pltpu.make_async_copy(h_hbm.at[src_v.at[b]], gbuf1, semg1).wait()
      pltpu.sync_copy(gbuf1, acc.at[dst_v.at[b]], add=True)
      return carry
    lax.fori_loop(0, HC // 2, body, 0)

  run_half(0)
  run_half(1)

  plsc.subcore_barrier()
  pltpu.sync_copy(acc.at[pl.ds(rbase, ROWS_PT)],
                  out.at[c, pl.ds(rbase, ROWS_PT)])


def _prep_body(x_ref, s0_ref, s1_ref, d0_ref, d1_ref,
               xs_ref, nsrc_ref, ndst_ref):
  deg_s = s0_ref[...] + s1_ref[...]
  deg_d = d0_ref[...] + d1_ref[...]
  nsrc = lax.rsqrt(jnp.maximum(deg_s, 1.0))
  ndst = lax.rsqrt(jnp.maximum(deg_d, 1.0))
  nsrc_ref[...] = nsrc
  ndst_ref[...] = ndst
  xs_ref[0:N] = x_ref[...] * nsrc[0:N]
  xs_ref[N:NP] = jnp.zeros((NP - N, D), jnp.float32)


def _layer_a_body(p_ref, ndst_ref, w_ref, b_ref, nsrc_ref, out_ref):
  agg = (p_ref[0] + p_ref[1]) * ndst_ref[...]
  h = jnp.dot(agg, w_ref[...], preferred_element_type=jnp.float32)
  h = jnp.maximum(h + b_ref[...], 0.0)
  out_ref[...] = h * nsrc_ref[...]


def _layer_b_body(p_ref, ndst_ref, w_ref, b_ref, fcw_ref, fcb_ref, out_ref):
  agg = (p_ref[0, 0:N] + p_ref[1, 0:N]) * ndst_ref[0:N]
  h = jnp.dot(agg, w_ref[...], preferred_element_type=jnp.float32)
  h = jnp.maximum(h + b_ref[...], 0.0)
  hg = jnp.sum(h, axis=0, keepdims=True) * (1.0 / N)
  logit = jnp.dot(hg, fcw_ref[...], preferred_element_type=jnp.float32)
  out_ref[...] = 1.0 / (1.0 + jnp.exp(-(logit + fcb_ref[...])))


def kernel(x, edge_index, W1, b1, W2, b2, fc_W, fc_b):
  pad_idx = PAD_NODE + (jnp.arange(EP - E, dtype=jnp.int32) % (NP - N))
  ei = jnp.concatenate([edge_index, jnp.tile(pad_idx, (2, 1))], axis=1)
  src = ei[0].reshape(NW, CPT, CH)
  dst = ei[1].reshape(NW, CPT, CH)

  ones1 = jnp.ones((CH,), jnp.float32)
  zeros1 = jnp.zeros((NP,), jnp.float32)
  zerosD = jnp.zeros((NP, D), jnp.float32)

  degflat = _deg_kernel(src, dst, ones1, zeros1)
  d_s0 = degflat[0 * NP:1 * NP].reshape(NP, 1)
  d_d0 = degflat[1 * NP:2 * NP].reshape(NP, 1)
  d_s1 = degflat[2 * NP:3 * NP].reshape(NP, 1)
  d_d1 = degflat[3 * NP:4 * NP].reshape(NP, 1)

  xs, nsrc, ndst = pl.pallas_call(
      _prep_body,
      out_shape=(
          jax.ShapeDtypeStruct((NP, D), jnp.float32),
          jax.ShapeDtypeStruct((NP, 1), jnp.float32),
          jax.ShapeDtypeStruct((NP, 1), jnp.float32),
      ),
  )(x, d_s0, d_s1, d_d0, d_d1)

  p1 = _agg_kernel(xs, src, dst, zerosD)

  h1s = pl.pallas_call(
      _layer_a_body,
      out_shape=jax.ShapeDtypeStruct((NP, D), jnp.float32),
  )(p1, ndst, W1, b1.reshape(1, D), nsrc)

  p2 = _agg_kernel(h1s, src, dst, zerosD)

  out = pl.pallas_call(
      _layer_b_body,
      out_shape=jax.ShapeDtypeStruct((1, 1), jnp.float32),
  )(p2, ndst, W2, b2.reshape(1, D), fc_W, fc_b.reshape(1, 1))
  return out

# --- scband reference (transcript-rebuilt; emitter-appended) ---
"""Pipeline reference for scband-graph-conv-binary-classifier-26405458936539 (READ-ONLY COPY).

The authoritative reference and input builder live on the scoring server;
editing this copy changes nothing except your own understanding.
"""

import jax, jax.numpy as jnp
import numpy as np

N = 10000
E = 320000
D_IN = 128
D_HID = 128


def setup_inputs(seed: int = 0) -> dict:
    key = jax.random.key(seed)
    ks = jax.random.split(key, 8)
    x = jax.random.normal(ks[0], (N, D_IN), dtype=jnp.float32)
    edge_index = jax.random.randint(ks[1], (2, E), 0, N, dtype=jnp.int32)
    # GraphConv layer 1 params (DGL GraphConv: weight [in, out], bias [out])
    W1 = jax.random.normal(ks[2], (D_IN, D_HID), dtype=jnp.float32) * (1.0 / np.sqrt(D_IN))
    b1 = jnp.zeros((D_HID,), dtype=jnp.float32)
    # GraphConv layer 2 params
    W2 = jax.random.normal(ks[3], (D_HID, D_HID), dtype=jnp.float32) * (1.0 / np.sqrt(D_HID))
    b2 = jnp.zeros((D_HID,), dtype=jnp.float32)
    # Final linear classifier params
    fc_W = jax.random.normal(ks[4], (D_HID, 1), dtype=jnp.float32) * (1.0 / np.sqrt(D_HID))
    fc_b = jnp.zeros((1,), dtype=jnp.float32)
    return {"x": x, "edge_index": edge_index, "W1": W1, "b1": b1, "W2": W2, "b2": b2, "fc_W": fc_W, "fc_b": fc_b}


def _graph_conv(x, src, dst, W, b, n_nodes):
    # DGL GraphConv with norm='both':
    #   h_src = x * out_deg^{-1/2}; aggregate sum src->dst; rst *= in_deg^{-1/2}; rst = rst @ W + b
    ones = jnp.ones((src.shape[0],), dtype=x.dtype)
    deg_out = jnp.zeros((n_nodes,), dtype=x.dtype).at[src].add(ones)
    deg_in = jnp.zeros((n_nodes,), dtype=x.dtype).at[dst].add(ones)
    norm_src = jnp.clip(deg_out, 1.0, None) ** -0.5
    norm_dst = jnp.clip(deg_in, 1.0, None) ** -0.5
    h = x * norm_src[:, None]
    msgs = jnp.take(h, src, axis=0)          # gather over edges
    agg = jnp.zeros((n_nodes, x.shape[1]), dtype=x.dtype).at[dst].add(msgs)  # scatter-add
    agg = agg * norm_dst[:, None]
    return agg @ W + b


def reference(x, edge_index, W1, b1, W2, b2, fc_W, fc_b):
    src = edge_index[0]
    dst = edge_index[1]
    n_nodes = x.shape[0]
    h = jax.nn.relu(_graph_conv(x, src, dst, W1, b1, n_nodes))
    h = jax.nn.relu(_graph_conv(h, src, dst, W2, b2, n_nodes))
    # dgl.mean_nodes over a single graph == mean over all nodes
    hg = jnp.mean(h, axis=0, keepdims=True)  # [1, hidden]
    out = hg @ fc_W + fc_b                   # [1, 1]
    return jax.nn.sigmoid(out)

if __name__ == "__main__":
    import jax
    _d = setup_inputs()
    print(jax.jit(kernel)(*tuple(_d.values())))

</pallas_src>

<mosaic_0001>
#map = affine_map<(d0, d1) -> (0, 0)>
#map1 = affine_map<(d0, d1) -> (0, 0, 0)>
module attributes {stable_mosaic.version = 14 : i64} {
  func.func @_agg_kernel(%arg0: i32, %arg1: i32, %arg2: memref<10240x128xf32, #tpu.memory_space<hbm>>, %arg3: memref<32x80x128xi32, #tpu.memory_space<hbm>>, %arg4: memref<32x80x128xi32, #tpu.memory_space<hbm>>, %arg5: memref<10240x128xf32, #tpu.memory_space<hbm>>, %arg6: memref<2x10240x128xf32, #tpu.memory_space<hbm>>, %arg7: memref<40x128xi32, #tpu.memory_space<vmem>>, %arg8: memref<40x128xi32, #tpu.memory_space<vmem>>, %arg9: memref<128x128xf32, #tpu.memory_space<vmem>>, %arg10: memref<128x128xf32, #tpu.memory_space<vmem>>, %arg11: memref<10240x128xf32, #tpu.memory_space<vmem_shared>>, %arg12: memref<!tpu.dma_semaphore, #tpu.memory_space<semaphore_mem>>, %arg13: memref<!tpu.dma_semaphore, #tpu.memory_space<semaphore_mem>>, %arg14: memref<!tpu.dma_semaphore, #tpu.memory_space<semaphore_mem>>, %arg15: memref<!tpu.dma_semaphore, #tpu.memory_space<semaphore_mem>>) attributes {dimension_semantics = [#tpu.dimension_semantics<core_parallel>, #tpu.dimension_semantics<subcore_parallel>], iteration_bounds = array<i64: 2, 16>, scalar_prefetch = 0 : i64, scratch_operands = 9 : i64, tpu.core_type = #tpu.core_type<sc_vector_subcore>, window_params = [{transform_indices = #map}, {transform_indices = #map1}, {transform_indices = #map1}, {transform_indices = #map}, {transform_indices = #map1}]} {
    %mul3A = arith.constant 16 : i32
    %mul3A_0 = arith.muli %arg0, %mul3A : i32
    %add3A = arith.addi %mul3A_0, %arg1 : i32
    %mul3A_1 = arith.constant 640 : i32
    %mul3A_2 = arith.muli %arg1, %mul3A_1 : i32
    "tpu.region"() ({
      %run_scoped3A = tpu.sem_alloc : memref<!tpu.dma_semaphore, #tpu.memory_space<semaphore_mem>>
      %dma_start3A_28 = arith.constant 0 : i32
      %dma_start3A_29 = tpu.memref_slice %arg11[%mul3A_2, %dma_start3A_28] : memref<10240x128xf32, #tpu.memory_space<vmem_shared>> -> memref<640x128xf32, #tpu.memory_space<vmem_shared>>
      %dma_start3A_30 = arith.constant 0 : i32
      %dma_start3A_31 = tpu.memref_slice %arg5[%mul3A_2, %dma_start3A_30] : memref<10240x128xf32, #tpu.memory_space<hbm>> -> memref<640x128xf32, #tpu.memory_space<hbm>>
      tpu.enqueue_dma source(%dma_start3A_31 : memref<640x128xf32, #tpu.memory_space<hbm>>) target(%dma_start3A_29 : memref<640x128xf32, #tpu.memory_space<vmem_shared>>) target_semaphore(%run_scoped3A : memref<!tpu.dma_semaphore, #tpu.memory_space<semaphore_mem>>)
      %dma_wait3A = arith.constant 0 : i32
      %dma_wait3A_32 = tpu.memref_slice %arg11[%mul3A_2, %dma_wait3A] : memref<10240x128xf32, #tpu.memory_space<vmem_shared>> -> memref<640x128xf32, #tpu.memory_space<vmem_shared>>
      %dma_wait3A_33 = arith.constant 0 : i32
      %dma_wait3A_34 = tpu.memref_slice %arg5[%mul3A_2, %dma_wait3A_33] : memref<10240x128xf32, #tpu.memory_space<hbm>> -> memref<640x128xf32, #tpu.memory_space<hbm>>
      tpu.wait_dma2 semaphore(%run_scoped3A : memref<!tpu.dma_semaphore, #tpu.memory_space<semaphore_mem>>) src(%dma_wait3A_34 : memref<640x128xf32, #tpu.memory_space<hbm>>) dst(%dma_wait3A_32 : memref<640x128xf32, #tpu.memory_space<vmem_shared>>)
      tpu.yield
    }) : () -> ()
    %barrier3A = arith.constant 0 : index
    tpu.barrier barrier_id(%barrier3A)
    "tpu.region"() ({
      %run_scoped3A = tpu.sem_alloc : memref<!tpu.dma_semaphore, #tpu.memory_space<semaphore_mem>>
      %dma_start3A_28 = arith.constant 0 : i32
      %dma_start3A_29 = arith.constant 0 : i32
      %dma_start3A_30 = tpu.memref_slice %arg3[%add3A, %dma_start3A_28, %dma_start3A_29] : memref<32x80x128xi32, #tpu.memory_space<hbm>> -> memref<1x40x128xi32, #tpu.memory_space<hbm>>
      %dma_start3A_31 = tpu.memref_squeeze %dma_start3A_30 : memref<1x40x128xi32, #tpu.memory_space<hbm>> -> memref<40x128xi32, #tpu.memory_space<hbm>>
      %dma_start3A_32 = arith.constant 0 : i32
      %dma_start3A_33 = arith.constant 0 : i32
      %dma_start3A_34 = tpu.memref_slice %arg3[%add3A, %dma_start3A_32, %dma_start3A_33] : memref<32x80x128xi32, #tpu.memory_space<hbm>> -> memref<1x40x128xi32, #tpu.memory_space<hbm>>
      %dma_start3A_35 = tpu.memref_squeeze %dma_start3A_34 : memref<1x40x128xi32, #tpu.memory_space<hbm>> -> memref<40x128xi32, #tpu.memory_space<hbm>>
      tpu.enqueue_dma source(%dma_start3A_35 : memref<40x128xi32, #tpu.memory_space<hbm>>) target(%arg7 : memref<40x128xi32, #tpu.memory_space<vmem>>) target_semaphore(%run_scoped3A : memref<!tpu.dma_semaphore, #tpu.memory_space<semaphore_mem>>)
      %dma_wait3A = arith.constant 0 : i32
      %dma_wait3A_36 = arith.constant 0 : i32
      %dma_wait3A_37 = tpu.memref_slice %arg3[%add3A, %dma_wait3A, %dma_wait3A_36] : memref<32x80x128xi32, #tpu.memory_space<hbm>> -> memref<1x40x128xi32, #tpu.memory_space<hbm>>
      %dma_wait3A_38 = tpu.memref_squeeze %dma_wait3A_37 : memref<1x40x128xi32, #tpu.memory_space<hbm>> -> memref<40x128xi32, #tpu.memory_space<hbm>>
      %dma_wait3A_39 = arith.constant 0 : i32
      %dma_wait3A_40 = arith.constant 0 : i32
      %dma_wait3A_41 = tpu.memref_slice %arg3[%add3A, %dma_wait3A_39, %dma_wait3A_40] : memref<32x80x128xi32, #tpu.memory_space<hbm>> -> memref<1x40x128xi32, #tpu.memory_space<hbm>>
      %dma_wait3A_42 = tpu.memref_squeeze %dma_wait3A_41 : memref<1x40x128xi32, #tpu.memory_space<hbm>> -> memref<40x128xi32, #tpu.memory_space<hbm>>
      tpu.wait_dma2 semaphore(%run_scoped3A : memref<!tpu.dma_semaphore, #tpu.memory_space<semaphore_mem>>) src(%dma_wait3A_42 : memref<40x128xi32, #tpu.memory_space<hbm>>) dst(%arg7 : memref<40x128xi32, #tpu.memory_space<vmem>>)
      tpu.yield
    }) : () -> ()
    "tpu.region"() ({
      %run_scoped3A = tpu.sem_alloc : memref<!tpu.dma_semaphore, #tpu.memory_space<semaphore_mem>>
      %dma_start3A_28 = arith.constant 0 : i32
      %dma_start3A_29 = arith.constant 0 : i32
      %dma_start3A_30 = tpu.memref_slice %arg4[%add3A, %dma_start3A_28, %dma_start3A_29] : memref<32x80x128xi32, #tpu.memory_space<hbm>> -> memref<1x40x128xi32, #tpu.memory_space<hbm>>
      %dma_start3A_31 = tpu.memref_squeeze %dma_start3A_30 : memref<1x40x128xi32, #tpu.memory_space<hbm>> -> memref<40x128xi32, #tpu.memory_space<hbm>>
      %dma_start3A_32 = arith.constant 0 : i32
      %dma_start3A_33 = arith.constant 0 : i32
      %dma_start3A_34 = tpu.memref_slice %arg4[%add3A, %dma_start3A_32, %dma_start3A_33] : memref<32x80x128xi32, #tpu.memory_space<hbm>> -> memref<1x40x128xi32, #tpu.memory_space<hbm>>
      %dma_start3A_35 = tpu.memref_squeeze %dma_start3A_34 : memref<1x40x128xi32, #tpu.memory_space<hbm>> -> memref<40x128xi32, #tpu.memory_space<hbm>>
      tpu.enqueue_dma source(%dma_start3A_35 : memref<40x128xi32, #tpu.memory_space<hbm>>) target(%arg8 : memref<40x128xi32, #tpu.memory_space<vmem>>) target_semaphore(%run_scoped3A : memref<!tpu.dma_semaphore, #tpu.memory_space<semaphore_mem>>)
      %dma_wait3A = arith.constant 0 : i32
      %dma_wait3A_36 = arith.constant 0 : i32
      %dma_wait3A_37 = tpu.memref_slice %arg4[%add3A, %dma_wait3A, %dma_wait3A_36] : memref<32x80x128xi32, #tpu.memory_space<hbm>> -> memref<1x40x128xi32, #tpu.memory_space<hbm>>
      %dma_wait3A_38 = tpu.memref_squeeze %dma_wait3A_37 : memref<1x40x128xi32, #tpu.memory_space<hbm>> -> memref<40x128xi32, #tpu.memory_space<hbm>>
      %dma_wait3A_39 = arith.constant 0 : i32
      %dma_wait3A_40 = arith.constant 0 : i32
      %dma_wait3A_41 = tpu.memref_slice %arg4[%add3A, %dma_wait3A_39, %dma_wait3A_40] : memref<32x80x128xi32, #tpu.memory_space<hbm>> -> memref<1x40x128xi32, #tpu.memory_space<hbm>>
      %dma_wait3A_42 = tpu.memref_squeeze %dma_wait3A_41 : memref<1x40x128xi32, #tpu.memory_space<hbm>> -> memref<40x128xi32, #tpu.memory_space<hbm>>
      tpu.wait_dma2 semaphore(%run_scoped3A : memref<!tpu.dma_semaphore, #tpu.memory_space<semaphore_mem>>) src(%dma_wait3A_42 : memref<40x128xi32, #tpu.memory_space<hbm>>) dst(%arg8 : memref<40x128xi32, #tpu.memory_space<vmem>>)
      tpu.yield
    }) : () -> ()
    %dma_start3A = arith.constant 0 : i32
    %dma_start3A_3 = arith.constant 0 : i32
    %dma_start3A_4 = tpu.memref_slice %arg7[%dma_start3A, %dma_start3A_3] : memref<40x128xi32, #tpu.memory_space<vmem>> -> memref<1x128xi32, #tpu.memory_space<vmem>>
    %dma_start3A_5 = tpu.memref_squeeze %dma_start3A_4 : memref<1x128xi32, #tpu.memory_space<vmem>> -> memref<128xi32, #tpu.memory_space<vmem>>
    %dma_start3A_6 = arith.constant 0 : i32
    %dma_start3A_7 = arith.constant 0 : i32
    %dma_start3A_8 = tpu.memref_slice %arg2[%dma_start3A_6, %dma_start3A_7] : memref<10240x128xf32, #tpu.memory_space<hbm>> -> memref<10240x128xf32, #tpu.memory_space<hbm>>
    tpu.enqueue_indirect_dma source(%dma_start3A_8 : memref<10240x128xf32, #tpu.memory_space<hbm>>) target(%arg9 : memref<128x128xf32, #tpu.memory_space<vmem>>) offsets(%dma_start3A_5 : memref<128xi32, #tpu.memory_space<vmem>>) semaphore(%arg12 : memref<!tpu.dma_semaphore, #tpu.memory_space<semaphore_mem>>)
    %scan3A = arith.constant 0 : i32
    %scan3A_9 = arith.constant 0 : i32
    %scan3A_10 = arith.constant 20 : i32
    %scan3A_11 = arith.addi %scan3A_9, %scan3A_10 : i32
    %scan3A_12 = arith.constant 1 : i32
    scf.for %scan3A_28 = %scan3A_9 to %scan3A_11 step %scan3A_12  : i32 {
      %mul3A_29 = arith.constant 2 : i32
      %mul3A_30 = arith.muli %mul3A_29, %scan3A_28 : i32
      %add3A_31 = arith.constant 1 : i32
      %add3A_32 = arith.addi %mul3A_30, %add3A_31 : i32
      %dma_start3A_33 = arith.constant 0 : i32
      %dma_start3A_34 = tpu.memref_slice %arg7[%add3A_32, %dma_start3A_33] : memref<40x128xi32, #tpu.memory_space<vmem>> -> memref<1x128xi32, #tpu.memory_space<vmem>>
      %dma_start3A_35 = tpu.memref_squeeze %dma_start3A_34 : memref<1x128xi32, #tpu.memory_space<vmem>> -> memref<128xi32, #tpu.memory_space<vmem>>
      %dma_start3A_36 = arith.constant 0 : i32
      %dma_start3A_37 = arith.constant 0 : i32
      %dma_start3A_38 = tpu.memref_slice %arg2[%dma_start3A_36, %dma_start3A_37] : memref<10240x128xf32, #tpu.memory_space<hbm>> -> memref<10240x128xf32, #tpu.memory_space<hbm>>
      tpu.enqueue_indirect_dma source(%dma_start3A_38 : memref<10240x128xf32, #tpu.memory_space<hbm>>) target(%arg10 : memref<128x128xf32, #tpu.memory_space<vmem>>) offsets(%dma_start3A_35 : memref<128xi32, #tpu.memory_space<vmem>>) semaphore(%arg13 : memref<!tpu.dma_semaphore, #tpu.memory_space<semaphore_mem>>)
      %dma_wait3A = arith.constant 0 : i32
      %dma_wait3A_39 = tpu.memref_slice %arg7[%mul3A_30, %dma_wait3A] : memref<40x128xi32, #tpu.memory_space<vmem>> -> memref<1x128xi32, #tpu.memory_space<vmem>>
      %dma_wait3A_40 = tpu.memref_squeeze %dma_wait3A_39 : memref<1x128xi32, #tpu.memory_space<vmem>> -> memref<128xi32, #tpu.memory_space<vmem>>
      %dma_wait3A_41 = arith.constant 0 : i32
      %dma_wait3A_42 = arith.constant 0 : i32
      %dma_wait3A_43 = tpu.memref_slice %arg2[%dma_wait3A_41, %dma_wait3A_42] : memref<10240x128xf32, #tpu.memory_space<hbm>> -> memref<10240x128xf32, #tpu.memory_space<hbm>>
      tpu.wait_indirect_dma semaphore(%arg12 : memref<!tpu.dma_semaphore, #tpu.memory_space<semaphore_mem>>) src(%dma_wait3A_43 : memref<10240x128xf32, #tpu.memory_space<hbm>>) dst(%arg9 : memref<128x128xf32, #tpu.memory_space<vmem>>)
      "tpu.region"() ({
        %run_scoped3A = tpu.sem_alloc : memref<!tpu.dma_semaphore, #tpu.memory_space<semaphore_mem>>
        %dma_start3A_54 = arith.constant 0 : i32
        %dma_start3A_55 = tpu.memref_slice %arg8[%mul3A_30, %dma_start3A_54] : memref<40x128xi32, #tpu.memory_space<vmem>> -> memref<1x128xi32, #tpu.memory_space<vmem>>
        %dma_start3A_56 = tpu.memref_squeeze %dma_start3A_55 : memref<1x128xi32, #tpu.memory_space<vmem>> -> memref<128xi32, #tpu.memory_space<vmem>>
        %dma_start3A_57 = arith.constant 0 : i32
        %dma_start3A_58 = arith.constant 0 : i32
        %dma_start3A_59 = tpu.memref_slice %arg11[%dma_start3A_57, %dma_start3A_58] : memref<10240x128xf32, #tpu.memory_space<vmem_shared>> -> memref<10240x128xf32, #tpu.memory_space<vmem_shared>>
        tpu.enqueue_indirect_dma source(%arg9 : memref<128x128xf32, #tpu.memory_space<vmem>>) target(%dma_start3A_59 : memref<10240x128xf32, #tpu.memory_space<vmem_shared>>) offsets(%dma_start3A_56 : memref<128xi32, #tpu.memory_space<vmem>>) semaphore(%run_scoped3A : memref<!tpu.dma_semaphore, #tpu.memory_space<semaphore_mem>>) {add = true}
        %dma_wait3A_60 = arith.constant 0 : i32
        %dma_wait3A_61 = tpu.memref_slice %arg8[%mul3A_30, %dma_wait3A_60] : memref<40x128xi32, #tpu.memory_space<vmem>> -> memref<1x128xi32, #tpu.memory_space<vmem>>
        %dma_wait3A_62 = tpu.memref_squeeze %dma_wait3A_61 : memref<1x128xi32, #tpu.memory_space<vmem>> -> memref<128xi32, #tpu.memory_space<vmem>>
        %dma_wait3A_63 = arith.constant 0 : i32
        %dma_wait3A_64 = arith.constant 0 : i32
        %dma_wait3A_65 = tpu.memref_slice %arg11[%dma_wait3A_63, %dma_wait3A_64] : memref<10240x128xf32, #tpu.memory_space<vmem_shared>> -> memref<10240x128xf32, #tpu.memory_space<vmem_shared>>
        tpu.wait_indirect_dma semaphore(%run_scoped3A : memref<!tpu.dma_semaphore, #tpu.memory_space<semaphore_mem>>) src(%arg9 : memref<128x128xf32, #tpu.memory_space<vmem>>) dst(%dma_wait3A_65 : memref<10240x128xf32, #tpu.memory_space<vmem_shared>>)
        tpu.yield
      }) : () -> ()
      %add3A_44 = arith.constant 1 : i32
      %add3A_45 = arith.addi %scan3A_28, %add3A_44 : i32
      %lt3A = arith.constant 20 : i32
      %lt3A_46 = arith.cmpi slt, %add3A_45, %lt3A : i32
      %convert_element_type3A = arith.extui %lt3A_46 : i1 to i32
      %cond3A = arith.constant 0 : i32
      %cond3A_47 = arith.cmpi ne, %convert_element_type3A, %cond3A : i32
      scf.if %cond3A_47 {
        %add3A_54 = arith.constant 2 : i32
        %add3A_55 = arith.addi %mul3A_30, %add3A_54 : i32
        %dma_start3A_56 = arith.constant 0 : i32
        %dma_start3A_57 = tpu.memref_slice %arg7[%add3A_55, %dma_start3A_56] : memref<40x128xi32, #tpu.memory_space<vmem>> -> memref<1x128xi32, #tpu.memory_space<vmem>>
        %dma_start3A_58 = tpu.memref_squeeze %dma_start3A_57 : memref<1x128xi32, #tpu.memory_space<vmem>> -> memref<128xi32, #tpu.memory_space<vmem>>
        %dma_start3A_59 = arith.constant 0 : i32
        %dma_start3A_60 = arith.constant 0 : i32
        %dma_start3A_61 = tpu.memref_slice %arg2[%dma_start3A_59, %dma_start3A_60] : memref<10240x128xf32, #tpu.memory_space<hbm>> -> memref<10240x128xf32, #tpu.memory_space<hbm>>
        tpu.enqueue_indirect_dma source(%dma_start3A_61 : memref<10240x128xf32, #tpu.memory_space<hbm>>) target(%arg9 : memref<128x128xf32, #tpu.memory_space<vmem>>) offsets(%dma_start3A_58 : memref<128xi32, #tpu.memory_space<vmem>>) semaphore(%arg12 : memref<!tpu.dma_semaphore, #tpu.memory_space<semaphore_mem>>)
      } else {
      }
      %dma_wait3A_48 = arith.constant 0 : i32
      %dma_wait3A_49 = tpu.memref_slice %arg7[%add3A_32, %dma_wait3A_48] : memref<40x128xi32, #tpu.memory_space<vmem>> -> memref<1x128xi32, #tpu.memory_space<vmem>>
      %dma_wait3A_50 = tpu.memref_squeeze %dma_wait3A_49 : memref<1x128xi32, #tpu.memory_space<vmem>> -> memref<128xi32, #tpu.memory_space<vmem>>
      %dma_wait3A_51 = arith.constant 0 : i32
      %dma_wait3A_52 = arith.constant 0 : i32
      %dma_wait3A_53 = tpu.memref_slice %arg2[%dma_wait3A_51, %dma_wait3A_52] : memref<10240x128xf32, #tpu.memory_space<hbm>> -> memref<10240x128xf32, #tpu.memory_space<hbm>>
      tpu.wait_indirect_dma semaphore(%arg13 : memref<!tpu.dma_semaphore, #tpu.memory_space<semaphore_mem>>) src(%dma_wait3A_53 : memref<10240x128xf32, #tpu.memory_space<hbm>>) dst(%arg10 : memref<128x128xf32, #tpu.memory_space<vmem>>)
      "tpu.region"() ({
        %run_scoped3A = tpu.sem_alloc : memref<!tpu.dma_semaphore, #tpu.memory_space<semaphore_mem>>
        %dma_start3A_54 = arith.constant 0 : i32
        %dma_start3A_55 = tpu.memref_slice %arg8[%add3A_32, %dma_start3A_54] : memref<40x128xi32, #tpu.memory_space<vmem>> -> memref<1x128xi32, #tpu.memory_space<vmem>>
        %dma_start3A_56 = tpu.memref_squeeze %dma_start3A_55 : memref<1x128xi32, #tpu.memory_space<vmem>> -> memref<128xi32, #tpu.memory_space<vmem>>
        %dma_start3A_57 = arith.constant 0 : i32
        %dma_start3A_58 = arith.constant 0 : i32
        %dma_start3A_59 = tpu.memref_slice %arg11[%dma_start3A_57, %dma_start3A_58] : memref<10240x128xf32, #tpu.memory_space<vmem_shared>> -> memref<10240x128xf32, #tpu.memory_space<vmem_shared>>
        tpu.enqueue_indirect_dma source(%arg10 : memref<128x128xf32, #tpu.memory_space<vmem>>) target(%dma_start3A_59 : memref<10240x128xf32, #tpu.memory_space<vmem_shared>>) offsets(%dma_start3A_56 : memref<128xi32, #tpu.memory_space<vmem>>) semaphore(%run_scoped3A : memref<!tpu.dma_semaphore, #tpu.memory_space<semaphore_mem>>) {add = true}
        %dma_wait3A_60 = arith.constant 0 : i32
        %dma_wait3A_61 = tpu.memref_slice %arg8[%add3A_32, %dma_wait3A_60] : memref<40x128xi32, #tpu.memory_space<vmem>> -> memref<1x128xi32, #tpu.memory_space<vmem>>
        %dma_wait3A_62 = tpu.memref_squeeze %dma_wait3A_61 : memref<1x128xi32, #tpu.memory_space<vmem>> -> memref<128xi32, #tpu.memory_space<vmem>>
        %dma_wait3A_63 = arith.constant 0 : i32
        %dma_wait3A_64 = arith.constant 0 : i32
        %dma_wait3A_65 = tpu.memref_slice %arg11[%dma_wait3A_63, %dma_wait3A_64] : memref<10240x128xf32, #tpu.memory_space<vmem_shared>> -> memref<10240x128xf32, #tpu.memory_space<vmem_shared>>
        tpu.wait_indirect_dma semaphore(%run_scoped3A : memref<!tpu.dma_semaphore, #tpu.memory_space<semaphore_mem>>) src(%arg10 : memref<128x128xf32, #tpu.memory_space<vmem>>) dst(%dma_wait3A_65 : memref<10240x128xf32, #tpu.memory_space<vmem_shared>>)
        tpu.yield
      }) : () -> ()
    }
    %scan3A_13 = arith.constant 20 : i32
    "tpu.region"() ({
      %run_scoped3A = tpu.sem_alloc : memref<!tpu.dma_semaphore, #tpu.memory_space<semaphore_mem>>
      %dma_start3A_28 = arith.constant 40 : i32
      %dma_start3A_29 = arith.constant 0 : i32
      %dma_start3A_30 = tpu.memref_slice %arg3[%add3A, %dma_start3A_28, %dma_start3A_29] : memref<32x80x128xi32, #tpu.memory_space<hbm>> -> memref<1x40x128xi32, #tpu.memory_space<hbm>>
      %dma_start3A_31 = tpu.memref_squeeze %dma_start3A_30 : memref<1x40x128xi32, #tpu.memory_space<hbm>> -> memref<40x128xi32, #tpu.memory_space<hbm>>
      %dma_start3A_32 = arith.constant 40 : i32
      %dma_start3A_33 = arith.constant 0 : i32
      %dma_start3A_34 = tpu.memref_slice %arg3[%add3A, %dma_start3A_32, %dma_start3A_33] : memref<32x80x128xi32, #tpu.memory_space<hbm>> -> memref<1x40x128xi32, #tpu.memory_space<hbm>>
      %dma_start3A_35 = tpu.memref_squeeze %dma_start3A_34 : memref<1x40x128xi32, #tpu.memory_space<hbm>> -> memref<40x128xi32, #tpu.memory_space<hbm>>
      tpu.enqueue_dma source(%dma_start3A_35 : memref<40x128xi32, #tpu.memory_space<hbm>>) target(%arg7 : memref<40x128xi32, #tpu.memory_space<vmem>>) target_semaphore(%run_scoped3A : memref<!tpu.dma_semaphore, #tpu.memory_space<semaphore_mem>>)
      %dma_wait3A = arith.constant 40 : i32
      %dma_wait3A_36 = arith.constant 0 : i32
      %dma_wait3A_37 = tpu.memref_slice %arg3[%add3A, %dma_wait3A, %dma_wait3A_36] : memref<32x80x128xi32, #tpu.memory_space<hbm>> -> memref<1x40x128xi32, #tpu.memory_space<hbm>>
      %dma_wait3A_38 = tpu.memref_squeeze %dma_wait3A_37 : memref<1x40x128xi32, #tpu.memory_space<hbm>> -> memref<40x128xi32, #tpu.memory_space<hbm>>
      %dma_wait3A_39 = arith.constant 40 : i32
      %dma_wait3A_40 = arith.constant 0 : i32
      %dma_wait3A_41 = tpu.memref_slice %arg3[%add3A, %dma_wait3A_39, %dma_wait3A_40] : memref<32x80x128xi32, #tpu.memory_space<hbm>> -> memref<1x40x128xi32, #tpu.memory_space<hbm>>
      %dma_wait3A_42 = tpu.memref_squeeze %dma_wait3A_41 : memref<1x40x128xi32, #tpu.memory_space<hbm>> -> memref<40x128xi32, #tpu.memory_space<hbm>>
      tpu.wait_dma2 semaphore(%run_scoped3A : memref<!tpu.dma_semaphore, #tpu.memory_space<semaphore_mem>>) src(%dma_wait3A_42 : memref<40x128xi32, #tpu.memory_space<hbm>>) dst(%arg7 : memref<40x128xi32, #tpu.memory_space<vmem>>)
      tpu.yield
    }) : () -> ()
    "tpu.region"() ({
      %run_scoped3A = tpu.sem_alloc : memref<!tpu.dma_semaphore, #tpu.memory_space<semaphore_mem>>
      %dma_start3A_28 = arith.constant 40 : i32
      %dma_start3A_29 = arith.constant 0 : i32
      %dma_start3A_30 = tpu.memref_slice %arg4[%add3A, %dma_start3A_28, %dma_start3A_29] : memref<32x80x128xi32, #tpu.memory_space<hbm>> -> memref<1x40x128xi32, #tpu.memory_space<hbm>>
      %dma_start3A_31 = tpu.memref_squeeze %dma_start3A_30 : memref<1x40x128xi32, #tpu.memory_space<hbm>> -> memref<40x128xi32, #tpu.memory_space<hbm>>
      %dma_start3A_32 = arith.constant 40 : i32
      %dma_start3A_33 = arith.constant 0 : i32
      %dma_start3A_34 = tpu.memref_slice %arg4[%add3A, %dma_start3A_32, %dma_start3A_33] : memref<32x80x128xi32, #tpu.memory_space<hbm>> -> memref<1x40x128xi32, #tpu.memory_space<hbm>>
      %dma_start3A_35 = tpu.memref_squeeze %dma_start3A_34 : memref<1x40x128xi32, #tpu.memory_space<hbm>> -> memref<40x128xi32, #tpu.memory_space<hbm>>
      tpu.enqueue_dma source(%dma_start3A_35 : memref<40x128xi32, #tpu.memory_space<hbm>>) target(%arg8 : memref<40x128xi32, #tpu.memory_space<vmem>>) target_semaphore(%run_scoped3A : memref<!tpu.dma_semaphore, #tpu.memory_space<semaphore_mem>>)
      %dma_wait3A = arith.constant 40 : i32
      %dma_wait3A_36 = arith.constant 0 : i32
      %dma_wait3A_37 = tpu.memref_slice %arg4[%add3A, %dma_wait3A, %dma_wait3A_36] : memref<32x80x128xi32, #tpu.memory_space<hbm>> -> memref<1x40x128xi32, #tpu.memory_space<hbm>>
      %dma_wait3A_38 = tpu.memref_squeeze %dma_wait3A_37 : memref<1x40x128xi32, #tpu.memory_space<hbm>> -> memref<40x128xi32, #tpu.memory_space<hbm>>
      %dma_wait3A_39 = arith.constant 40 : i32
      %dma_wait3A_40 = arith.constant 0 : i32
      %dma_wait3A_41 = tpu.memref_slice %arg4[%add3A, %dma_wait3A_39, %dma_wait3A_40] : memref<32x80x128xi32, #tpu.memory_space<hbm>> -> memref<1x40x128xi32, #tpu.memory_space<hbm>>
      %dma_wait3A_42 = tpu.memref_squeeze %dma_wait3A_41 : memref<1x40x128xi32, #tpu.memory_space<hbm>> -> memref<40x128xi32, #tpu.memory_space<hbm>>
      tpu.wait_dma2 semaphore(%run_scoped3A : memref<!tpu.dma_semaphore, #tpu.memory_space<semaphore_mem>>) src(%dma_wait3A_42 : memref<40x128xi32, #tpu.memory_space<hbm>>) dst(%arg8 : memref<40x128xi32, #tpu.memory_space<vmem>>)
      tpu.yield
    }) : () -> ()
    %dma_start3A_14 = arith.constant 0 : i32
    %dma_start3A_15 = arith.constant 0 : i32
    %dma_start3A_16 = tpu.memref_slice %arg7[%dma_start3A_14, %dma_start3A_15] : memref<40x128xi32, #tpu.memory_space<vmem>> -> memref<1x128xi32, #tpu.memory_space<vmem>>
    %dma_start3A_17 = tpu.memref_squeeze %dma_start3A_16 : memref<1x128xi32, #tpu.memory_space<vmem>> -> memref<128xi32, #tpu.memory_space<vmem>>
    %dma_start3A_18 = arith.constant 0 : i32
    %dma_start3A_19 = arith.constant 0 : i32
    %dma_start3A_20 = tpu.memref_slice %arg2[%dma_start3A_18, %dma_start3A_19] : memref<10240x128xf32, #tpu.memory_space<hbm>> -> memref<10240x128xf32, #tpu.memory_space<hbm>>
    tpu.enqueue_indirect_dma source(%dma_start3A_20 : memref<10240x128xf32, #tpu.memory_space<hbm>>) target(%arg9 : memref<128x128xf32, #tpu.memory_space<vmem>>) offsets(%dma_start3A_17 : memref<128xi32, #tpu.memory_space<vmem>>) semaphore(%arg12 : memref<!tpu.dma_semaphore, #tpu.memory_space<semaphore_mem>>)
    %scan3A_21 = arith.constant 0 : i32
    %scan3A_22 = arith.constant 0 : i32
    %scan3A_23 = arith.constant 20 : i32
    %scan3A_24 = arith.addi %scan3A_22, %scan3A_23 : i32
    %scan3A_25 = arith.constant 1 : i32
    scf.for %scan3A_28 = %scan3A_22 to %scan3A_24 step %scan3A_25  : i32 {
      %mul3A_29 = arith.constant 2 : i32
      %mul3A_30 = arith.muli %mul3A_29, %scan3A_28 : i32
      %add3A_31 = arith.constant 1 : i32
      %add3A_32 = arith.addi %mul3A_30, %add3A_31 : i32
      %dma_start3A_33 = arith.constant 0 : i32
      %dma_start3A_34 = tpu.memref_slice %arg7[%add3A_32, %dma_start3A_33] : memref<40x128xi32, #tpu.memory_space<vmem>> -> memref<1x128xi32, #tpu.memory_space<vmem>>
      %dma_start3A_35 = tpu.memref_squeeze %dma_start3A_34 : memref<1x128xi32, #tpu.memory_space<vmem>> -> memref<128xi32, #tpu.memory_space<vmem>>
      %dma_start3A_36 = arith.constant 0 : i32
      %dma_start3A_37 = arith.constant 0 : i32
      %dma_start3A_38 = tpu.memref_slice %arg2[%dma_start3A_36, %dma_start3A_37] : memref<10240x128xf32, #tpu.memory_space<hbm>> -> memref<10240x128xf32, #tpu.memory_space<hbm>>
      tpu.enqueue_indirect_dma source(%dma_start3A_38 : memref<10240x128xf32, #tpu.memory_space<hbm>>) target(%arg10 : memref<128x128xf32, #tpu.memory_space<vmem>>) offsets(%dma_start3A_35 : memref<128xi32, #tpu.memory_space<vmem>>) semaphore(%arg13 : memref<!tpu.dma_semaphore, #tpu.memory_space<semaphore_mem>>)
      %dma_wait3A = arith.constant 0 : i32
      %dma_wait3A_39 = tpu.memref_slice %arg7[%mul3A_30, %dma_wait3A] : memref<40x128xi32, #tpu.memory_space<vmem>> -> memref<1x128xi32, #tpu.memory_space<vmem>>
      %dma_wait3A_40 = tpu.memref_squeeze %dma_wait3A_39 : memref<1x128xi32, #tpu.memory_space<vmem>> -> memref<128xi32, #tpu.memory_space<vmem>>
      %dma_wait3A_41 = arith.constant 0 : i32
      %dma_wait3A_42 = arith.constant 0 : i32
      %dma_wait3A_43 = tpu.memref_slice %arg2[%dma_wait3A_41, %dma_wait3A_42] : memref<10240x128xf32, #tpu.memory_space<hbm>> -> memref<10240x128xf32, #tpu.memory_space<hbm>>
      tpu.wait_indirect_dma semaphore(%arg12 : memref<!tpu.dma_semaphore, #tpu.memory_space<semaphore_mem>>) src(%dma_wait3A_43 : memref<10240x128xf32, #tpu.memory_space<hbm>>) dst(%arg9 : memref<128x128xf32, #tpu.memory_space<vmem>>)
      "tpu.region"() ({
        %run_scoped3A = tpu.sem_alloc : memref<!tpu.dma_semaphore, #tpu.memory_space<semaphore_mem>>
        %dma_start3A_54 = arith.constant 0 : i32
        %dma_start3A_55 = tpu.memref_slice %arg8[%mul3A_30, %dma_start3A_54] : memref<40x128xi32, #tpu.memory_space<vmem>> -> memref<1x128xi32, #tpu.memory_space<vmem>>
        %dma_start3A_56 = tpu.memref_squeeze %dma_start3A_55 : memref<1x128xi32, #tpu.memory_space<vmem>> -> memref<128xi32, #tpu.memory_space<vmem>>
        %dma_start3A_57 = arith.constant 0 : i32
        %dma_start3A_58 = arith.constant 0 : i32
        %dma_start3A_59 = tpu.memref_slice %arg11[%dma_start3A_57, %dma_start3A_58] : memref<10240x128xf32, #tpu.memory_space<vmem_shared>> -> memref<10240x128xf32, #tpu.memory_space<vmem_shared>>
        tpu.enqueue_indirect_dma source(%arg9 : memref<128x128xf32, #tpu.memory_space<vmem>>) target(%dma_start3A_59 : memref<10240x128xf32, #tpu.memory_space<vmem_shared>>) offsets(%dma_start3A_56 : memref<128xi32, #tpu.memory_space<vmem>>) semaphore(%run_scoped3A : memref<!tpu.dma_semaphore, #tpu.memory_space<semaphore_mem>>) {add = true}
        %dma_wait3A_60 = arith.constant 0 : i32
        %dma_wait3A_61 = tpu.memref_slice %arg8[%mul3A_30, %dma_wait3A_60] : memref<40x128xi32, #tpu.memory_space<vmem>> -> memref<1x128xi32, #tpu.memory_space<vmem>>
        %dma_wait3A_62 = tpu.memref_squeeze %dma_wait3A_61 : memref<1x128xi32, #tpu.memory_space<vmem>> -> memref<128xi32, #tpu.memory_space<vmem>>
        %dma_wait3A_63 = arith.constant 0 : i32
        %dma_wait3A_64 = arith.constant 0 : i32
        %dma_wait3A_65 = tpu.memref_slice %arg11[%dma_wait3A_63, %dma_wait3A_64] : memref<10240x128xf32, #tpu.memory_space<vmem_shared>> -> memref<10240x128xf32, #tpu.memory_space<vmem_shared>>
        tpu.wait_indirect_dma semaphore(%run_scoped3A : memref<!tpu.dma_semaphore, #tpu.memory_space<semaphore_mem>>) src(%arg9 : memref<128x128xf32, #tpu.memory_space<vmem>>) dst(%dma_wait3A_65 : memref<10240x128xf32, #tpu.memory_space<vmem_shared>>)
        tpu.yield
      }) : () -> ()
      %add3A_44 = arith.constant 1 : i32
      %add3A_45 = arith.addi %scan3A_28, %add3A_44 : i32
      %lt3A = arith.constant 20 : i32
      %lt3A_46 = arith.cmpi slt, %add3A_45, %lt3A : i32
      %convert_element_type3A = arith.extui %lt3A_46 : i1 to i32
      %cond3A = arith.constant 0 : i32
      %cond3A_47 = arith.cmpi ne, %convert_element_type3A, %cond3A : i32
      scf.if %cond3A_47 {
        %add3A_54 = arith.constant 2 : i32
        %add3A_55 = arith.addi %mul3A_30, %add3A_54 : i32
        %dma_start3A_56 = arith.constant 0 : i32
        %dma_start3A_57 = tpu.memref_slice %arg7[%add3A_55, %dma_start3A_56] : memref<40x128xi32, #tpu.memory_space<vmem>> -> memref<1x128xi32, #tpu.memory_space<vmem>>
        %dma_start3A_58 = tpu.memref_squeeze %dma_start3A_57 : memref<1x128xi32, #tpu.memory_space<vmem>> -> memref<128xi32, #tpu.memory_space<vmem>>
        %dma_start3A_59 = arith.constant 0 : i32
        %dma_start3A_60 = arith.constant 0 : i32
        %dma_start3A_61 = tpu.memref_slice %arg2[%dma_start3A_59, %dma_start3A_60] : memref<10240x128xf32, #tpu.memory_space<hbm>> -> memref<10240x128xf32, #tpu.memory_space<hbm>>
        tpu.enqueue_indirect_dma source(%dma_start3A_61 : memref<10240x128xf32, #tpu.memory_space<hbm>>) target(%arg9 : memref<128x128xf32, #tpu.memory_space<vmem>>) offsets(%dma_start3A_58 : memref<128xi32, #tpu.memory_space<vmem>>) semaphore(%arg12 : memref<!tpu.dma_semaphore, #tpu.memory_space<semaphore_mem>>)
      } else {
      }
      %dma_wait3A_48 = arith.constant 0 : i32
      %dma_wait3A_49 = tpu.memref_slice %arg7[%add3A_32, %dma_wait3A_48] : memref<40x128xi32, #tpu.memory_space<vmem>> -> memref<1x128xi32, #tpu.memory_space<vmem>>
      %dma_wait3A_50 = tpu.memref_squeeze %dma_wait3A_49 : memref<1x128xi32, #tpu.memory_space<vmem>> -> memref<128xi32, #tpu.memory_space<vmem>>
      %dma_wait3A_51 = arith.constant 0 : i32
      %dma_wait3A_52 = arith.constant 0 : i32
      %dma_wait3A_53 = tpu.memref_slice %arg2[%dma_wait3A_51, %dma_wait3A_52] : memref<10240x128xf32, #tpu.memory_space<hbm>> -> memref<10240x128xf32, #tpu.memory_space<hbm>>
      tpu.wait_indirect_dma semaphore(%arg13 : memref<!tpu.dma_semaphore, #tpu.memory_space<semaphore_mem>>) src(%dma_wait3A_53 : memref<10240x128xf32, #tpu.memory_space<hbm>>) dst(%arg10 : memref<128x128xf32, #tpu.memory_space<vmem>>)
      "tpu.region"() ({
        %run_scoped3A = tpu.sem_alloc : memref<!tpu.dma_semaphore, #tpu.memory_space<semaphore_mem>>
        %dma_start3A_54 = arith.constant 0 : i32
        %dma_start3A_55 = tpu.memref_slice %arg8[%add3A_32, %dma_start3A_54] : memref<40x128xi32, #tpu.memory_space<vmem>> -> memref<1x128xi32, #tpu.memory_space<vmem>>
        %dma_start3A_56 = tpu.memref_squeeze %dma_start3A_55 : memref<1x128xi32, #tpu.memory_space<vmem>> -> memref<128xi32, #tpu.memory_space<vmem>>
        %dma_start3A_57 = arith.constant 0 : i32
        %dma_start3A_58 = arith.constant 0 : i32
        %dma_start3A_59 = tpu.memref_slice %arg11[%dma_start3A_57, %dma_start3A_58] : memref<10240x128xf32, #tpu.memory_space<vmem_shared>> -> memref<10240x128xf32, #tpu.memory_space<vmem_shared>>
        tpu.enqueue_indirect_dma source(%arg10 : memref<128x128xf32, #tpu.memory_space<vmem>>) target(%dma_start3A_59 : memref<10240x128xf32, #tpu.memory_space<vmem_shared>>) offsets(%dma_start3A_56 : memref<128xi32, #tpu.memory_space<vmem>>) semaphore(%run_scoped3A : memref<!tpu.dma_semaphore, #tpu.memory_space<semaphore_mem>>) {add = true}
        %dma_wait3A_60 = arith.constant 0 : i32
        %dma_wait3A_61 = tpu.memref_slice %arg8[%add3A_32, %dma_wait3A_60] : memref<40x128xi32, #tpu.memory_space<vmem>> -> memref<1x128xi32, #tpu.memory_space<vmem>>
        %dma_wait3A_62 = tpu.memref_squeeze %dma_wait3A_61 : memref<1x128xi32, #tpu.memory_space<vmem>> -> memref<128xi32, #tpu.memory_space<vmem>>
        %dma_wait3A_63 = arith.constant 0 : i32
        %dma_wait3A_64 = arith.constant 0 : i32
        %dma_wait3A_65 = tpu.memref_slice %arg11[%dma_wait3A_63, %dma_wait3A_64] : memref<10240x128xf32, #tpu.memory_space<vmem_shared>> -> memref<10240x128xf32, #tpu.memory_space<vmem_shared>>
        tpu.wait_indirect_dma semaphore(%run_scoped3A : memref<!tpu.dma_semaphore, #tpu.memory_space<semaphore_mem>>) src(%arg10 : memref<128x128xf32, #tpu.memory_space<vmem>>) dst(%dma_wait3A_65 : memref<10240x128xf32, #tpu.memory_space<vmem_shared>>)
        tpu.yield
      }) : () -> ()
    }
    %scan3A_26 = arith.constant 20 : i32
    %barrier3A_27 = arith.constant 0 : index
    tpu.barrier barrier_id(%barrier3A_27)
    "tpu.region"() ({
      %run_scoped3A = tpu.sem_alloc : memref<!tpu.dma_semaphore, #tpu.memory_space<semaphore_mem>>
      %dma_start3A_28 = arith.constant 0 : i32
      %dma_start3A_29 = tpu.memref_slice %arg6[%arg0, %mul3A_2, %dma_start3A_28] : memref<2x10240x128xf32, #tpu.memory_space<hbm>> -> memref<1x640x128xf32, #tpu.memory_space<hbm>>
      %dma_start3A_30 = tpu.memref_squeeze %dma_start3A_29 : memref<1x640x128xf32, #tpu.memory_space<hbm>> -> memref<640x128xf32, #tpu.memory_space<hbm>>
      %dma_start3A_31 = arith.constant 0 : i32
      %dma_start3A_32 = tpu.memref_slice %arg11[%mul3A_2, %dma_start3A_31] : memref<10240x128xf32, #tpu.memory_space<vmem_shared>> -> memref<640x128xf32, #tpu.memory_space<vmem_shared>>
      tpu.enqueue_dma source(%dma_start3A_32 : memref<640x128xf32, #tpu.memory_space<vmem_shared>>) target(%dma_start3A_30 : memref<640x128xf32, #tpu.memory_space<hbm>>) target_semaphore(%run_scoped3A : memref<!tpu.dma_semaphore, #tpu.memory_space<semaphore_mem>>)
      %dma_wait3A = arith.constant 0 : i32
      %dma_wait3A_33 = tpu.memref_slice %arg6[%arg0, %mul3A_2, %dma_wait3A] : memref<2x10240x128xf32, #tpu.memory_space<hbm>> -> memref<1x640x128xf32, #tpu.memory_space<hbm>>
      %dma_wait3A_34 = tpu.memref_squeeze %dma_wait3A_33 : memref<1x640x128xf32, #tpu.memory_space<hbm>> -> memref<640x128xf32, #tpu.memory_space<hbm>>
      %dma_wait3A_35 = arith.constant 0 : i32
      %dma_wait3A_36 = tpu.memref_slice %arg11[%mul3A_2, %dma_wait3A_35] : memref<10240x128xf32, #tpu.memory_space<vmem_shared>> -> memref<640x128xf32, #tpu.memory_space<vmem_shared>>
      tpu.wait_dma2 semaphore(%run_scoped3A : memref<!tpu.dma_semaphore, #tpu.memory_space<semaphore_mem>>) src(%dma_wait3A_36 : memref<640x128xf32, #tpu.memory_space<vmem_shared>>) dst(%dma_wait3A_34 : memref<640x128xf32, #tpu.memory_space<hbm>>)
      tpu.yield
    }) : () -> ()
    return
  }
}

#map = affine_map<(d0, d1) -> (0, 0, 0)>
#map1 = affine_map<(d0, d1) -> (0)>
module attributes {stable_mosaic.version = 14 : i64} {
  func.func @_deg_kernel(%arg0: i32, %arg1: i32, %arg2: memref<32x80x128xi32, #tpu.memory_space<hbm>>, %arg3: memref<32x80x128xi32, #tpu.memory_space<hbm>>, %arg4: memref<128xf32, #tpu.memory_space<hbm>>, %arg5: memref<10240xf32, #tpu.memory_space<hbm>>, %arg6: memref<40960xf32, #tpu.memory_space<hbm>>, %arg7: memref<80x128xi32, #tpu.memory_space<vmem>>, %arg8: memref<80x128xi32, #tpu.memory_space<vmem>>, %arg9: memref<128xf32, #tpu.memory_space<vmem>>, %arg10: memref<10240xf32, #tpu.memory_space<vmem_shared>>, %arg11: memref<10240xf32, #tpu.memory_space<vmem_shared>>, %arg12: memref<!tpu.dma_semaphore, #tpu.memory_space<semaphore_mem>>, %arg13: memref<!tpu.dma_semaphore, #tpu.memory_space<semaphore_mem>>) attributes {dimension_semantics = [#tpu.dimension_semantics<core_parallel>, #tpu.dimension_semantics<subcore_parallel>], iteration_bounds = array<i64: 2, 16>, scalar_prefetch = 0 : i64, scratch_operands = 7 : i64, tpu.core_type = #tpu.core_type<sc_vector_subcore>, window_params = [{transform_indices = #map}, {transform_indices = #map}, {transform_indices = #map1}, {transform_indices = #map1}, {transform_indices = #map1}]} {
    %mul3A = arith.constant 16 : i32
    %mul3A_0 = arith.muli %arg0, %mul3A : i32
    %add3A = arith.addi %mul3A_0, %arg1 : i32
    %mul3A_1 = arith.constant 640 : i32
    %mul3A_2 = arith.muli %arg1, %mul3A_1 : i32
    "tpu.region"() ({
      %run_scoped3A = tpu.sem_alloc : memref<!tpu.dma_semaphore, #tpu.memory_space<semaphore_mem>>
      %dma_start3A = tpu.memref_slice %arg10[%mul3A_2] : memref<10240xf32, #tpu.memory_space<vmem_shared>> -> memref<640xf32, #tpu.memory_space<vmem_shared>>
      %dma_start3A_32 = tpu.memref_slice %arg5[%mul3A_2] : memref<10240xf32, #tpu.memory_space<hbm>> -> memref<640xf32, #tpu.memory_space<hbm>>
      tpu.enqueue_dma source(%dma_start3A_32 : memref<640xf32, #tpu.memory_space<hbm>>) target(%dma_start3A : memref<640xf32, #tpu.memory_space<vmem_shared>>) target_semaphore(%run_scoped3A : memref<!tpu.dma_semaphore, #tpu.memory_space<semaphore_mem>>)
      %dma_wait3A_33 = tpu.memref_slice %arg10[%mul3A_2] : memref<10240xf32, #tpu.memory_space<vmem_shared>> -> memref<640xf32, #tpu.memory_space<vmem_shared>>
      %dma_wait3A_34 = tpu.memref_slice %arg5[%mul3A_2] : memref<10240xf32, #tpu.memory_space<hbm>> -> memref<640xf32, #tpu.memory_space<hbm>>
      tpu.wait_dma2 semaphore(%run_scoped3A : memref<!tpu.dma_semaphore, #tpu.memory_space<semaphore_mem>>) src(%dma_wait3A_34 : memref<640xf32, #tpu.memory_space<hbm>>) dst(%dma_wait3A_33 : memref<640xf32, #tpu.memory_space<vmem_shared>>)
      tpu.yield
    }) : () -> ()
    "tpu.region"() ({
      %run_scoped3A = tpu.sem_alloc : memref<!tpu.dma_semaphore, #tpu.memory_space<semaphore_mem>>
      %dma_start3A = tpu.memref_slice %arg11[%mul3A_2] : memref<10240xf32, #tpu.memory_space<vmem_shared>> -> memref<640xf32, #tpu.memory_space<vmem_shared>>
      %dma_start3A_32 = tpu.memref_slice %arg5[%mul3A_2] : memref<10240xf32, #tpu.memory_space<hbm>> -> memref<640xf32, #tpu.memory_space<hbm>>
      tpu.enqueue_dma source(%dma_start3A_32 : memref<640xf32, #tpu.memory_space<hbm>>) target(%dma_start3A : memref<640xf32, #tpu.memory_space<vmem_shared>>) target_semaphore(%run_scoped3A : memref<!tpu.dma_semaphore, #tpu.memory_space<semaphore_mem>>)
      %dma_wait3A_33 = tpu.memref_slice %arg11[%mul3A_2] : memref<10240xf32, #tpu.memory_space<vmem_shared>> -> memref<640xf32, #tpu.memory_space<vmem_shared>>
      %dma_wait3A_34 = tpu.memref_slice %arg5[%mul3A_2] : memref<10240xf32, #tpu.memory_space<hbm>> -> memref<640xf32, #tpu.memory_space<hbm>>
      tpu.wait_dma2 semaphore(%run_scoped3A : memref<!tpu.dma_semaphore, #tpu.memory_space<semaphore_mem>>) src(%dma_wait3A_34 : memref<640xf32, #tpu.memory_space<hbm>>) dst(%dma_wait3A_33 : memref<640xf32, #tpu.memory_space<vmem_shared>>)
      tpu.yield
    }) : () -> ()
    "tpu.region"() ({
      %run_scoped3A = tpu.sem_alloc : memref<!tpu.dma_semaphore, #tpu.memory_space<semaphore_mem>>
      tpu.enqueue_dma source(%arg4 : memref<128xf32, #tpu.memory_space<hbm>>) target(%arg9 : memref<128xf32, #tpu.memory_space<vmem>>) target_semaphore(%run_scoped3A : memref<!tpu.dma_semaphore, #tpu.memory_space<semaphore_mem>>)
      tpu.wait_dma2 semaphore(%run_scoped3A : memref<!tpu.dma_semaphore, #tpu.memory_space<semaphore_mem>>) src(%arg4 : memref<128xf32, #tpu.memory_space<hbm>>) dst(%arg9 : memref<128xf32, #tpu.memory_space<vmem>>)
      tpu.yield
    }) : () -> ()
    "tpu.region"() ({
      %run_scoped3A = tpu.sem_alloc : memref<!tpu.dma_semaphore, #tpu.memory_space<semaphore_mem>>
      %dma_start3A = arith.constant 0 : i32
      %dma_start3A_32 = arith.constant 0 : i32
      %dma_start3A_33 = tpu.memref_slice %arg2[%add3A, %dma_start3A, %dma_start3A_32] : memref<32x80x128xi32, #tpu.memory_space<hbm>> -> memref<1x80x128xi32, #tpu.memory_space<hbm>>
      %dma_start3A_34 = tpu.memref_squeeze %dma_start3A_33 : memref<1x80x128xi32, #tpu.memory_space<hbm>> -> memref<80x128xi32, #tpu.memory_space<hbm>>
      %dma_start3A_35 = arith.constant 0 : i32
      %dma_start3A_36 = arith.constant 0 : i32
      %dma_start3A_37 = tpu.memref_slice %arg2[%add3A, %dma_start3A_35, %dma_start3A_36] : memref<32x80x128xi32, #tpu.memory_space<hbm>> -> memref<1x80x128xi32, #tpu.memory_space<hbm>>
      %dma_start3A_38 = tpu.memref_squeeze %dma_start3A_37 : memref<1x80x128xi32, #tpu.memory_space<hbm>> -> memref<80x128xi32, #tpu.memory_space<hbm>>
      tpu.enqueue_dma source(%dma_start3A_38 : memref<80x128xi32, #tpu.memory_space<hbm>>) target(%arg7 : memref<80x128xi32, #tpu.memory_space<vmem>>) target_semaphore(%run_scoped3A : memref<!tpu.dma_semaphore, #tpu.memory_space<semaphore_mem>>)
      %dma_wait3A_39 = arith.constant 0 : i32
      %dma_wait3A_40 = arith.constant 0 : i32
      %dma_wait3A_41 = tpu.memref_slice %arg2[%add3A, %dma_wait3A_39, %dma_wait3A_40] : memref<32x80x128xi32, #tpu.memory_space<hbm>> -> memref<1x80x128xi32, #tpu.memory_space<hbm>>
      %dma_wait3A_42 = tpu.memref_squeeze %dma_wait3A_41 : memref<1x80x128xi32, #tpu.memory_space<hbm>> -> memref<80x128xi32, #tpu.memory_space<hbm>>
      %dma_wait3A_43 = arith.constant 0 : i32
      %dma_wait3A_44 = arith.constant 0 : i32
      %dma_wait3A_45 = tpu.memref_slice %arg2[%add3A, %dma_wait3A_43, %dma_wait3A_44] : memref<32x80x128xi32, #tpu.memory_space<hbm>> -> memref<1x80x128xi32, #tpu.memory_space<hbm>>
      %dma_wait3A_46 = tpu.memref_squeeze %dma_wait3A_45 : memref<1x80x128xi32, #tpu.memory_space<hbm>> -> memref<80x128xi32, #tpu.memory_space<hbm>>
      tpu.wait_dma2 semaphore(%run_scoped3A : memref<!tpu.dma_semaphore, #tpu.memory_space<semaphore_mem>>) src(%dma_wait3A_46 : memref<80x128xi32, #tpu.memory_space<hbm>>) dst(%arg7 : memref<80x128xi32, #tpu.memory_space<vmem>>)
      tpu.yield
    }) : () -> ()
    "tpu.region"() ({
      %run_scoped3A = tpu.sem_alloc : memref<!tpu.dma_semaphore, #tpu.memory_space<semaphore_mem>>
      %dma_start3A = arith.constant 0 : i32
      %dma_start3A_32 = arith.constant 0 : i32
      %dma_start3A_33 = tpu.memref_slice %arg3[%add3A, %dma_start3A, %dma_start3A_32] : memref<32x80x128xi32, #tpu.memory_space<hbm>> -> memref<1x80x128xi32, #tpu.memory_space<hbm>>
      %dma_start3A_34 = tpu.memref_squeeze %dma_start3A_33 : memref<1x80x128xi32, #tpu.memory_space<hbm>> -> memref<80x128xi32, #tpu.memory_space<hbm>>
      %dma_start3A_35 = arith.constant 0 : i32
      %dma_start3A_36 = arith.constant 0 : i32
      %dma_start3A_37 = tpu.memref_slice %arg3[%add3A, %dma_start3A_35, %dma_start3A_36] : memref<32x80x128xi32, #tpu.memory_space<hbm>> -> memref<1x80x128xi32, #tpu.memory_space<hbm>>
      %dma_start3A_38 = tpu.memref_squeeze %dma_start3A_37 : memref<1x80x128xi32, #tpu.memory_space<hbm>> -> memref<80x128xi32, #tpu.memory_space<hbm>>
      tpu.enqueue_dma source(%dma_start3A_38 : memref<80x128xi32, #tpu.memory_space<hbm>>) target(%arg8 : memref<80x128xi32, #tpu.memory_space<vmem>>) target_semaphore(%run_scoped3A : memref<!tpu.dma_semaphore, #tpu.memory_space<semaphore_mem>>)
      %dma_wait3A_39 = arith.constant 0 : i32
      %dma_wait3A_40 = arith.constant 0 : i32
      %dma_wait3A_41 = tpu.memref_slice %arg3[%add3A, %dma_wait3A_39, %dma_wait3A_40] : memref<32x80x128xi32, #tpu.memory_space<hbm>> -> memref<1x80x128xi32, #tpu.memory_space<hbm>>
      %dma_wait3A_42 = tpu.memref_squeeze %dma_wait3A_41 : memref<1x80x128xi32, #tpu.memory_space<hbm>> -> memref<80x128xi32, #tpu.memory_space<hbm>>
      %dma_wait3A_43 = arith.constant 0 : i32
      %dma_wait3A_44 = arith.constant 0 : i32
      %dma_wait3A_45 = tpu.memref_slice %arg3[%add3A, %dma_wait3A_43, %dma_wait3A_44] : memref<32x80x128xi32, #tpu.memory_space<hbm>> -> memref<1x80x128xi32, #tpu.memory_space<hbm>>
      %dma_wait3A_46 = tpu.memref_squeeze %dma_wait3A_45 : memref<1x80x128xi32, #tpu.memory_space<hbm>> -> memref<80x128xi32, #tpu.memory_space<hbm>>
      tpu.wait_dma2 semaphore(%run_scoped3A : memref<!tpu.dma_semaphore, #tpu.memory_space<semaphore_mem>>) src(%dma_wait3A_46 : memref<80x128xi32, #tpu.memory_space<hbm>>) dst(%arg8 : memref<80x128xi32, #tpu.memory_space<vmem>>)
      tpu.yield
    }) : () -> ()
    %barrier3A = arith.constant 0 : index
    tpu.barrier barrier_id(%barrier3A)
    %scan3A = arith.constant 0 : i32
    %scan3A_3 = arith.constant 0 : i32
    %scan3A_4 = arith.constant 80 : i32
    %scan3A_5 = arith.addi %scan3A_3, %scan3A_4 : i32
    %scan3A_6 = arith.constant 1 : i32
    scf.for %scan3A_32 = %scan3A_3 to %scan3A_5 step %scan3A_6  : i32 {
      %gt3A = arith.constant 0 : i32
      %gt3A_33 = arith.cmpi sgt, %scan3A_32, %gt3A : i32
      %convert_element_type3A = arith.extui %gt3A_33 : i1 to i32
      %cond3A = arith.constant 0 : i32
      %cond3A_34 = arith.cmpi ne, %convert_element_type3A, %cond3A : i32
      scf.if %cond3A_34 {
        %sub3A = arith.constant 1 : i32
        %sub3A_44 = arith.subi %scan3A_32, %sub3A : i32
        %dma_wait3A_45 = arith.constant 0 : i32
        %dma_wait3A_46 = tpu.memref_slice %arg7[%sub3A_44, %dma_wait3A_45] : memref<80x128xi32, #tpu.memory_space<vmem>> -> memref<1x128xi32, #tpu.memory_space<vmem>>
        %dma_wait3A_47 = tpu.memref_squeeze %dma_wait3A_46 : memref<1x128xi32, #tpu.memory_space<vmem>> -> memref<128xi32, #tpu.memory_space<vmem>>
        %dma_wait3A_48 = arith.constant 0 : i32
        %dma_wait3A_49 = tpu.memref_slice %arg10[%dma_wait3A_48] : memref<10240xf32, #tpu.memory_space<vmem_shared>> -> memref<10240xf32, #tpu.memory_space<vmem_shared>>
        tpu.wait_indirect_dma semaphore(%arg12 : memref<!tpu.dma_semaphore, #tpu.memory_space<semaphore_mem>>) src(%arg9 : memref<128xf32, #tpu.memory_space<vmem>>) dst(%dma_wait3A_49 : memref<10240xf32, #tpu.memory_space<vmem_shared>>)
        %sub3A_50 = arith.constant 1 : i32
        %sub3A_51 = arith.subi %scan3A_32, %sub3A_50 : i32
        %dma_wait3A_52 = arith.constant 0 : i32
        %dma_wait3A_53 = tpu.memref_slice %arg8[%sub3A_51, %dma_wait3A_52] : memref<80x128xi32, #tpu.memory_space<vmem>> -> memref<1x128xi32, #tpu.memory_space<vmem>>
        %dma_wait3A_54 = tpu.memref_squeeze %dma_wait3A_53 : memref<1x128xi32, #tpu.memory_space<vmem>> -> memref<128xi32, #tpu.memory_space<vmem>>
        %dma_wait3A_55 = arith.constant 0 : i32
        %dma_wait3A_56 = tpu.memref_slice %arg11[%dma_wait3A_55] : memref<10240xf32, #tpu.memory_space<vmem_shared>> -> memref<10240xf32, #tpu.memory_space<vmem_shared>>
        tpu.wait_indirect_dma semaphore(%arg13 : memref<!tpu.dma_semaphore, #tpu.memory_space<semaphore_mem>>) src(%arg9 : memref<128xf32, #tpu.memory_space<vmem>>) dst(%dma_wait3A_56 : memref<10240xf32, #tpu.memory_space<vmem_shared>>)
      } else {
      }
      %dma_start3A = arith.constant 0 : i32
      %dma_start3A_35 = tpu.memref_slice %arg7[%scan3A_32, %dma_start3A] : memref<80x128xi32, #tpu.memory_space<vmem>> -> memref<1x128xi32, #tpu.memory_space<vmem>>
      %dma_start3A_36 = tpu.memref_squeeze %dma_start3A_35 : memref<1x128xi32, #tpu.memory_space<vmem>> -> memref<128xi32, #tpu.memory_space<vmem>>
      %dma_start3A_37 = arith.constant 0 : i32
      %dma_start3A_38 = tpu.memref_slice %arg10[%dma_start3A_37] : memref<10240xf32, #tpu.memory_space<vmem_shared>> -> memref<10240xf32, #tpu.memory_space<vmem_shared>>
      tpu.enqueue_indirect_dma source(%arg9 : memref<128xf32, #tpu.memory_space<vmem>>) target(%dma_start3A_38 : memref<10240xf32, #tpu.memory_space<vmem_shared>>) offsets(%dma_start3A_36 : memref<128xi32, #tpu.memory_space<vmem>>) semaphore(%arg12 : memref<!tpu.dma_semaphore, #tpu.memory_space<semaphore_mem>>) {add = true}
      %dma_start3A_39 = arith.constant 0 : i32
      %dma_start3A_40 = tpu.memref_slice %arg8[%scan3A_32, %dma_start3A_39] : memref<80x128xi32, #tpu.memory_space<vmem>> -> memref<1x128xi32, #tpu.memory_space<vmem>>
      %dma_start3A_41 = tpu.memref_squeeze %dma_start3A_40 : memref<1x128xi32, #tpu.memory_space<vmem>> -> memref<128xi32, #tpu.memory_space<vmem>>
      %dma_start3A_42 = arith.constant 0 : i32
      %dma_start3A_43 = tpu.memref_slice %arg11[%dma_start3A_42] : memref<10240xf32, #tpu.memory_space<vmem_shared>> -> memref<10240xf32, #tpu.memory_space<vmem_shared>>
      tpu.enqueue_indirect_dma source(%arg9 : memref<128xf32, #tpu.memory_space<vmem>>) target(%dma_start3A_43 : memref<10240xf32, #tpu.memory_space<vmem_shared>>) offsets(%dma_start3A_41 : memref<128xi32, #tpu.memory_space<vmem>>) semaphore(%arg13 : memref<!tpu.dma_semaphore, #tpu.memory_space<semaphore_mem>>) {add = true}
    }
    %scan3A_7 = arith.constant 80 : i32
    %dma_wait3A = arith.constant 79 : i32
    %dma_wait3A_8 = arith.constant 0 : i32
    %dma_wait3A_9 = tpu.memref_slice %arg7[%dma_wait3A, %dma_wait3A_8] : memref<80x128xi32, #tpu.memory_space<vmem>> -> memref<1x128xi32, #tpu.memory_space<vmem>>
    %dma_wait3A_10 = tpu.memref_squeeze %dma_wait3A_9 : memref<1x128xi32, #tpu.memory_space<vmem>> -> memref<128xi32, #tpu.memory_space<vmem>>
    %dma_wait3A_11 = arith.constant 0 : i32
    %dma_wait3A_12 = tpu.memref_slice %arg10[%dma_wait3A_11] : memref<10240xf32, #tpu.memory_space<vmem_shared>> -> memref<10240xf32, #tpu.memory_space<vmem_shared>>
    tpu.wait_indirect_dma semaphore(%arg12 : memref<!tpu.dma_semaphore, #tpu.memory_space<semaphore_mem>>) src(%arg9 : memref<128xf32, #tpu.memory_space<vmem>>) dst(%dma_wait3A_12 : memref<10240xf32, #tpu.memory_space<vmem_shared>>)
    %dma_wait3A_13 = arith.constant 79 : i32
    %dma_wait3A_14 = arith.constant 0 : i32
    %dma_wait3A_15 = tpu.memref_slice %arg8[%dma_wait3A_13, %dma_wait3A_14] : memref<80x128xi32, #tpu.memory_space<vmem>> -> memref<1x128xi32, #tpu.memory_space<vmem>>
    %dma_wait3A_16 = tpu.memref_squeeze %dma_wait3A_15 : memref<1x128xi32, #tpu.memory_space<vmem>> -> memref<128xi32, #tpu.memory_space<vmem>>
    %dma_wait3A_17 = arith.constant 0 : i32
    %dma_wait3A_18 = tpu.memref_slice %arg11[%dma_wait3A_17] : memref<10240xf32, #tpu.memory_space<vmem_shared>> -> memref<10240xf32, #tpu.memory_space<vmem_shared>>
    tpu.wait_indirect_dma semaphore(%arg13 : memref<!tpu.dma_semaphore, #tpu.memory_space<semaphore_mem>>) src(%arg9 : memref<128xf32, #tpu.memory_space<vmem>>) dst(%dma_wait3A_18 : memref<10240xf32, #tpu.memory_space<vmem_shared>>)
    %barrier3A_19 = arith.constant 0 : index
    tpu.barrier barrier_id(%barrier3A_19)
    %mul3A_20 = arith.constant 2 : i32
    %mul3A_21 = arith.muli %mul3A_20, %arg0 : i32
    %mul3A_22 = arith.constant 10240 : i32
    %mul3A_23 = arith.muli %mul3A_21, %mul3A_22 : i32
    %add3A_24 = arith.addi %mul3A_23, %mul3A_2 : i32
    "tpu.region"() ({
      %run_scoped3A = tpu.sem_alloc : memref<!tpu.dma_semaphore, #tpu.memory_space<semaphore_mem>>
      %dma_start3A = tpu.memref_slice %arg6[%add3A_24] : memref<40960xf32, #tpu.memory_space<hbm>> -> memref<640xf32, #tpu.memory_space<hbm>>
      %dma_start3A_32 = tpu.memref_slice %arg10[%mul3A_2] : memref<10240xf32, #tpu.memory_space<vmem_shared>> -> memref<640xf32, #tpu.memory_space<vmem_shared>>
      tpu.enqueue_dma source(%dma_start3A_32 : memref<640xf32, #tpu.memory_space<vmem_shared>>) target(%dma_start3A : memref<640xf32, #tpu.memory_space<hbm>>) target_semaphore(%run_scoped3A : memref<!tpu.dma_semaphore, #tpu.memory_space<semaphore_mem>>)
      %dma_wait3A_33 = tpu.memref_slice %arg6[%add3A_24] : memref<40960xf32, #tpu.memory_space<hbm>> -> memref<640xf32, #tpu.memory_space<hbm>>
      %dma_wait3A_34 = tpu.memref_slice %arg10[%mul3A_2] : memref<10240xf32, #tpu.memory_space<vmem_shared>> -> memref<640xf32, #tpu.memory_space<vmem_shared>>
      tpu.wait_dma2 semaphore(%run_scoped3A : memref<!tpu.dma_semaphore, #tpu.memory_space<semaphore_mem>>) src(%dma_wait3A_34 : memref<640xf32, #tpu.memory_space<vmem_shared>>) dst(%dma_wait3A_33 : memref<640xf32, #tpu.memory_space<hbm>>)
      tpu.yield
    }) : () -> ()
    %mul3A_25 = arith.constant 2 : i32
    %mul3A_26 = arith.muli %mul3A_25, %arg0 : i32
    %add3A_27 = arith.constant 1 : i32
    %add3A_28 = arith.addi %mul3A_26, %add3A_27 : i32
    %mul3A_29 = arith.constant 10240 : i32
    %mul3A_30 = arith.muli %add3A_28, %mul3A_29 : i32
    %add3A_31 = arith.addi %mul3A_30, %mul3A_2 : i32
    "tpu.region"() ({
      %run_scoped3A = tpu.sem_alloc : memref<!tpu.dma_semaphore, #tpu.memory_space<semaphore_mem>>
      %dma_start3A = tpu.memref_slice %arg6[%add3A_31] : memref<40960xf32, #tpu.memory_space<hbm>> -> memref<640xf32, #tpu.memory_space<hbm>>
      %dma_start3A_32 = tpu.memref_slice %arg11[%mul3A_2] : memref<10240xf32, #tpu.memory_space<vmem_shared>> -> memref<640xf32, #tpu.memory_space<vmem_shared>>
      tpu.enqueue_dma source(%dma_start3A_32 : memref<640xf32, #tpu.memory_space<vmem_shared>>) target(%dma_start3A : memref<640xf32, #tpu.memory_space<hbm>>) target_semaphore(%run_scoped3A : memref<!tpu.dma_semaphore, #tpu.memory_space<semaphore_mem>>)
      %dma_wait3A_33 = tpu.memref_slice %arg6[%add3A_31] : memref<40960xf32, #tpu.memory_space<hbm>> -> memref<640xf32, #tpu.memory_space<hbm>>
      %dma_wait3A_34 = tpu.memref_slice %arg11[%mul3A_2] : memref<10240xf32, #tpu.memory_space<vmem_shared>> -> memref<640xf32, #tpu.memory_space<vmem_shared>>
      tpu.wait_dma2 semaphore(%run_scoped3A : memref<!tpu.dma_semaphore, #tpu.memory_space<semaphore_mem>>) src(%dma_wait3A_34 : memref<640xf32, #tpu.memory_space<vmem_shared>>) dst(%dma_wait3A_33 : memref<640xf32, #tpu.memory_space<hbm>>)
      tpu.yield
    }) : () -> ()
    return
  }
}

#map = affine_map<(d0, d1) -> (0, 0)>
#map1 = affine_map<(d0, d1) -> (0, 0, 0)>
module attributes {stable_mosaic.version = 14 : i64} {
  func.func @_agg_kernel(%arg0: i32, %arg1: i32, %arg2: memref<10240x128xf32, #tpu.memory_space<hbm>>, %arg3: memref<32x80x128xi32, #tpu.memory_space<hbm>>, %arg4: memref<32x80x128xi32, #tpu.memory_space<hbm>>, %arg5: memref<10240x128xf32, #tpu.memory_space<hbm>>, %arg6: memref<2x10240x128xf32, #tpu.memory_space<hbm>>, %arg7: memref<40x128xi32, #tpu.memory_space<vmem>>, %arg8: memref<40x128xi32, #tpu.memory_space<vmem>>, %arg9: memref<128x128xf32, #tpu.memory_space<vmem>>, %arg10: memref<128x128xf32, #tpu.memory_space<vmem>>, %arg11: memref<10240x128xf32, #tpu.memory_space<vmem_shared>>, %arg12: memref<!tpu.dma_semaphore, #tpu.memory_space<semaphore_mem>>, %arg13: memref<!tpu.dma_semaphore, #tpu.memory_space<semaphore_mem>>, %arg14: memref<!tpu.dma_semaphore, #tpu.memory_space<semaphore_mem>>, %arg15: memref<!tpu.dma_semaphore, #tpu.memory_space<semaphore_mem>>) attributes {dimension_semantics = [#tpu.dimension_semantics<core_parallel>, #tpu.dimension_semantics<subcore_parallel>], iteration_bounds = array<i64: 2, 16>, scalar_prefetch = 0 : i64, scratch_operands = 9 : i64, tpu.core_type = #tpu.core_type<sc_vector_subcore>, window_params = [{transform_indices = #map}, {transform_indices = #map1}, {transform_indices = #map1}, {transform_indices = #map}, {transform_indices = #map1}]} {
    %mul3A = arith.constant 16 : i32
    %mul3A_0 = arith.muli %arg0, %mul3A : i32
    %add3A = arith.addi %mul3A_0, %arg1 : i32
    %mul3A_1 = arith.constant 640 : i32
    %mul3A_2 = arith.muli %arg1, %mul3A_1 : i32
    "tpu.region"() ({
      %run_scoped3A = tpu.sem_alloc : memref<!tpu.dma_semaphore, #tpu.memory_space<semaphore_mem>>
      %dma_start3A_28 = arith.constant 0 : i32
      %dma_start3A_29 = tpu.memref_slice %arg11[%mul3A_2, %dma_start3A_28] : memref<10240x128xf32, #tpu.memory_space<vmem_shared>> -> memref<640x128xf32, #tpu.memory_space<vmem_shared>>
      %dma_start3A_30 = arith.constant 0 : i32
      %dma_start3A_31 = tpu.memref_slice %arg5[%mul3A_2, %dma_start3A_30] : memref<10240x128xf32, #tpu.memory_space<hbm>> -> memref<640x128xf32, #tpu.memory_space<hbm>>
      tpu.enqueue_dma source(%dma_start3A_31 : memref<640x128xf32, #tpu.memory_space<hbm>>) target(%dma_start3A_29 : memref<640x128xf32, #tpu.memory_space<vmem_shared>>) target_semaphore(%run_scoped3A : memref<!tpu.dma_semaphore, #tpu.memory_space<semaphore_mem>>)
      %dma_wait3A = arith.constant 0 : i32
      %dma_wait3A_32 = tpu.memref_slice %arg11[%mul3A_2, %dma_wait3A] : memref<10240x128xf32, #tpu.memory_space<vmem_shared>> -> memref<640x128xf32, #tpu.memory_space<vmem_shared>>
      %dma_wait3A_33 = arith.constant 0 : i32
      %dma_wait3A_34 = tpu.memref_slice %arg5[%mul3A_2, %dma_wait3A_33] : memref<10240x128xf32, #tpu.memory_space<hbm>> -> memref<640x128xf32, #tpu.memory_space<hbm>>
      tpu.wait_dma2 semaphore(%run_scoped3A : memref<!tpu.dma_semaphore, #tpu.memory_space<semaphore_mem>>) src(%dma_wait3A_34 : memref<640x128xf32, #tpu.memory_space<hbm>>) dst(%dma_wait3A_32 : memref<640x128xf32, #tpu.memory_space<vmem_shared>>)
      tpu.yield
    }) : () -> ()
    %barrier3A = arith.constant 0 : index
    tpu.barrier barrier_id(%barrier3A)
    "tpu.region"() ({
      %run_scoped3A = tpu.sem_alloc : memref<!tpu.dma_semaphore, #tpu.memory_space<semaphore_mem>>
      %dma_start3A_28 = arith.constant 0 : i32
      %dma_start3A_29 = arith.constant 0 : i32
      %dma_start3A_30 = tpu.memref_slice %arg3[%add3A, %dma_start3A_28, %dma_start3A_29] : memref<32x80x128xi32, #tpu.memory_space<hbm>> -> memref<1x40x128xi32, #tpu.memory_space<hbm>>
      %dma_start3A_31 = tpu.memref_squeeze %dma_start3A_30 : memref<1x40x128xi32, #tpu.memory_space<hbm>> -> memref<40x128xi32, #tpu.memory_space<hbm>>
      %dma_start3A_32 = arith.constant 0 : i32
      %dma_start3A_33 = arith.constant 0 : i32
      %dma_start3A_34 = tpu.memref_slice %arg3[%add3A, %dma_start3A_32, %dma_start3A_33] : memref<32x80x128xi32, #tpu.memory_space<hbm>> -> memref<1x40x128xi32, #tpu.memory_space<hbm>>
      %dma_start3A_35 = tpu.memref_squeeze %dma_start3A_34 : memref<1x40x128xi32, #tpu.memory_space<hbm>> -> memref<40x128xi32, #tpu.memory_space<hbm>>
      tpu.enqueue_dma source(%dma_start3A_35 : memref<40x128xi32, #tpu.memory_space<hbm>>) target(%arg7 : memref<40x128xi32, #tpu.memory_space<vmem>>) target_semaphore(%run_scoped3A : memref<!tpu.dma_semaphore, #tpu.memory_space<semaphore_mem>>)
      %dma_wait3A = arith.constant 0 : i32
      %dma_wait3A_36 = arith.constant 0 : i32
      %dma_wait3A_37 = tpu.memref_slice %arg3[%add3A, %dma_wait3A, %dma_wait3A_36] : memref<32x80x128xi32, #tpu.memory_space<hbm>> -> memref<1x40x128xi32, #tpu.memory_space<hbm>>
      %dma_wait3A_38 = tpu.memref_squeeze %dma_wait3A_37 : memref<1x40x128xi32, #tpu.memory_space<hbm>> -> memref<40x128xi32, #tpu.memory_space<hbm>>
      %dma_wait3A_39 = arith.constant 0 : i32
      %dma_wait3A_40 = arith.constant 0 : i32
      %dma_wait3A_41 = tpu.memref_slice %arg3[%add3A, %dma_wait3A_39, %dma_wait3A_40] : memref<32x80x128xi32, #tpu.memory_space<hbm>> -> memref<1x40x128xi32, #tpu.memory_space<hbm>>
      %dma_wait3A_42 = tpu.memref_squeeze %dma_wait3A_41 : memref<1x40x128xi32, #tpu.memory_space<hbm>> -> memref<40x128xi32, #tpu.memory_space<hbm>>
      tpu.wait_dma2 semaphore(%run_scoped3A : memref<!tpu.dma_semaphore, #tpu.memory_space<semaphore_mem>>) src(%dma_wait3A_42 : memref<40x128xi32, #tpu.memory_space<hbm>>) dst(%arg7 : memref<40x128xi32, #tpu.memory_space<vmem>>)
      tpu.yield
    }) : () -> ()
    "tpu.region"() ({
      %run_scoped3A = tpu.sem_alloc : memref<!tpu.dma_semaphore, #tpu.memory_space<semaphore_mem>>
      %dma_start3A_28 = arith.constant 0 : i32
      %dma_start3A_29 = arith.constant 0 : i32
      %dma_start3A_30 = tpu.memref_slice %arg4[%add3A, %dma_start3A_28, %dma_start3A_29] : memref<32x80x128xi32, #tpu.memory_space<hbm>> -> memref<1x40x128xi32, #tpu.memory_space<hbm>>
      %dma_start3A_31 = tpu.memref_squeeze %dma_start3A_30 : memref<1x40x128xi32, #tpu.memory_space<hbm>> -> memref<40x128xi32, #tpu.memory_space<hbm>>
      %dma_start3A_32 = arith.constant 0 : i32
      %dma_start3A_33 = arith.constant 0 : i32
      %dma_start3A_34 = tpu.memref_slice %arg4[%add3A, %dma_start3A_32, %dma_start3A_33] : memref<32x80x128xi32, #tpu.memory_space<hbm>> -> memref<1x40x128xi32, #tpu.memory_space<hbm>>
      %dma_start3A_35 = tpu.memref_squeeze %dma_start3A_34 : memref<1x40x128xi32, #tpu.memory_space<hbm>> -> memref<40x128xi32, #tpu.memory_space<hbm>>
      tpu.enqueue_dma source(%dma_start3A_35 : memref<40x128xi32, #tpu.memory_space<hbm>>) target(%arg8 : memref<40x128xi32, #tpu.memory_space<vmem>>) target_semaphore(%run_scoped3A : memref<!tpu.dma_semaphore, #tpu.memory_space<semaphore_mem>>)
      %dma_wait3A = arith.constant 0 : i32
      %dma_wait3A_36 = arith.constant 0 : i32
      %dma_wait3A_37 = tpu.memref_slice %arg4[%add3A, %dma_wait3A, %dma_wait3A_36] : memref<32x80x128xi32, #tpu.memory_space<hbm>> -> memref<1x40x128xi32, #tpu.memory_space<hbm>>
      %dma_wait3A_38 = tpu.memref_squeeze %dma_wait3A_37 : memref<1x40x128xi32, #tpu.memory_space<hbm>> -> memref<40x128xi32, #tpu.memory_space<hbm>>
      %dma_wait3A_39 = arith.constant 0 : i32
      %dma_wait3A_40 = arith.constant 0 : i32
      %dma_wait3A_41 = tpu.memref_slice %arg4[%add3A, %dma_wait3A_39, %dma_wait3A_40] : memref<32x80x128xi32, #tpu.memory_space<hbm>> -> memref<1x40x128xi32, #tpu.memory_space<hbm>>
      %dma_wait3A_42 = tpu.memref_squeeze %dma_wait3A_41 : memref<1x40x128xi32, #tpu.memory_space<hbm>> -> memref<40x128xi32, #tpu.memory_space<hbm>>
      tpu.wait_dma2 semaphore(%run_scoped3A : memref<!tpu.dma_semaphore, #tpu.memory_space<semaphore_mem>>) src(%dma_wait3A_42 : memref<40x128xi32, #tpu.memory_space<hbm>>) dst(%arg8 : memref<40x128xi32, #tpu.memory_space<vmem>>)
      tpu.yield
    }) : () -> ()
    %dma_start3A = arith.constant 0 : i32
    %dma_start3A_3 = arith.constant 0 : i32
    %dma_start3A_4 = tpu.memref_slice %arg7[%dma_start3A, %dma_start3A_3] : memref<40x128xi32, #tpu.memory_space<vmem>> -> memref<1x128xi32, #tpu.memory_space<vmem>>
    %dma_start3A_5 = tpu.memref_squeeze %dma_start3A_4 : memref<1x128xi32, #tpu.memory_space<vmem>> -> memref<128xi32, #tpu.memory_space<vmem>>
    %dma_start3A_6 = arith.constant 0 : i32
    %dma_start3A_7 = arith.constant 0 : i32
    %dma_start3A_8 = tpu.memref_slice %arg2[%dma_start3A_6, %dma_start3A_7] : memref<10240x128xf32, #tpu.memory_space<hbm>> -> memref<10240x128xf32, #tpu.memory_space<hbm>>
    tpu.enqueue_indirect_dma source(%dma_start3A_8 : memref<10240x128xf32, #tpu.memory_space<hbm>>) target(%arg9 : memref<128x128xf32, #tpu.memory_space<vmem>>) offsets(%dma_start3A_5 : memref<128xi32, #tpu.memory_space<vmem>>) semaphore(%arg12 : memref<!tpu.dma_semaphore, #tpu.memory_space<semaphore_mem>>)
    %scan3A = arith.constant 0 : i32
    %scan3A_9 = arith.constant 0 : i32
    %scan3A_10 = arith.constant 20 : i32
    %scan3A_11 = arith.addi %scan3A_9, %scan3A_10 : i32
    %scan3A_12 = arith.constant 1 : i32
    scf.for %scan3A_28 = %scan3A_9 to %scan3A_11 step %scan3A_12  : i32 {
      %mul3A_29 = arith.constant 2 : i32
      %mul3A_30 = arith.muli %mul3A_29, %scan3A_28 : i32
      %add3A_31 = arith.constant 1 : i32
      %add3A_32 = arith.addi %mul3A_30, %add3A_31 : i32
      %dma_start3A_33 = arith.constant 0 : i32
      %dma_start3A_34 = tpu.memref_slice %arg7[%add3A_32, %dma_start3A_33] : memref<40x128xi32, #tpu.memory_space<vmem>> -> memref<1x128xi32, #tpu.memory_space<vmem>>
      %dma_start3A_35 = tpu.memref_squeeze %dma_start3A_34 : memref<1x128xi32, #tpu.memory_space<vmem>> -> memref<128xi32, #tpu.memory_space<vmem>>
      %dma_start3A_36 = arith.constant 0 : i32
      %dma_start3A_37 = arith.constant 0 : i32
      %dma_start3A_38 = tpu.memref_slice %arg2[%dma_start3A_36, %dma_start3A_37] : memref<10240x128xf32, #tpu.memory_space<hbm>> -> memref<10240x128xf32, #tpu.memory_space<hbm>>
      tpu.enqueue_indirect_dma source(%dma_start3A_38 : memref<10240x128xf32, #tpu.memory_space<hbm>>) target(%arg10 : memref<128x128xf32, #tpu.memory_space<vmem>>) offsets(%dma_start3A_35 : memref<128xi32, #tpu.memory_space<vmem>>) semaphore(%arg13 : memref<!tpu.dma_semaphore, #tpu.memory_space<semaphore_mem>>)
      %dma_wait3A = arith.constant 0 : i32
      %dma_wait3A_39 = tpu.memref_slice %arg7[%mul3A_30, %dma_wait3A] : memref<40x128xi32, #tpu.memory_space<vmem>> -> memref<1x128xi32, #tpu.memory_space<vmem>>
      %dma_wait3A_40 = tpu.memref_squeeze %dma_wait3A_39 : memref<1x128xi32, #tpu.memory_space<vmem>> -> memref<128xi32, #tpu.memory_space<vmem>>
      %dma_wait3A_41 = arith.constant 0 : i32
      %dma_wait3A_42 = arith.constant 0 : i32
      %dma_wait3A_43 = tpu.memref_slice %arg2[%dma_wait3A_41, %dma_wait3A_42] : memref<10240x128xf32, #tpu.memory_space<hbm>> -> memref<10240x128xf32, #tpu.memory_space<hbm>>
      tpu.wait_indirect_dma semaphore(%arg12 : memref<!tpu.dma_semaphore, #tpu.memory_space<semaphore_mem>>) src(%dma_wait3A_43 : memref<10240x128xf32, #tpu.memory_space<hbm>>) dst(%arg9 : memref<128x128xf32, #tpu.memory_space<vmem>>)
      "tpu.region"() ({
        %run_scoped3A = tpu.sem_alloc : memref<!tpu.dma_semaphore, #tpu.memory_space<semaphore_mem>>
        %dma_start3A_54 = arith.constant 0 : i32
        %dma_start3A_55 = tpu.memref_slice %arg8[%mul3A_30, %dma_start3A_54] : memref<40x128xi32, #tpu.memory_space<vmem>> -> memref<1x128xi32, #tpu.memory_space<vmem>>
        %dma_start3A_56 = tpu.memref_squeeze %dma_start3A_55 : memref<1x128xi32, #tpu.memory_space<vmem>> -> memref<128xi32, #tpu.memory_space<vmem>>
        %dma_start3A_57 = arith.constant 0 : i32
        %dma_start3A_58 = arith.constant 0 : i32
        %dma_start3A_59 = tpu.memref_slice %arg11[%dma_start3A_57, %dma_start3A_58] : memref<10240x128xf32, #tpu.memory_space<vmem_shared>> -> memref<10240x128xf32, #tpu.memory_space<vmem_shared>>
        tpu.enqueue_indirect_dma source(%arg9 : memref<128x128xf32, #tpu.memory_space<vmem>>) target(%dma_start3A_59 : memref<10240x128xf32, #tpu.memory_space<vmem_shared>>) offsets(%dma_start3A_56 : memref<128xi32, #tpu.memory_space<vmem>>) semaphore(%run_scoped3A : memref<!tpu.dma_semaphore, #tpu.memory_space<semaphore_mem>>) {add = true}
        %dma_wait3A_60 = arith.constant 0 : i32
        %dma_wait3A_61 = tpu.memref_slice %arg8[%mul3A_30, %dma_wait3A_60] : memref<40x128xi32, #tpu.memory_space<vmem>> -> memref<1x128xi32, #tpu.memory_space<vmem>>
        %dma_wait3A_62 = tpu.memref_squeeze %dma_wait3A_61 : memref<1x128xi32, #tpu.memory_space<vmem>> -> memref<128xi32, #tpu.memory_space<vmem>>
        %dma_wait3A_63 = arith.constant 0 : i32
        %dma_wait3A_64 = arith.constant 0 : i32
        %dma_wait3A_65 = tpu.memref_slice %arg11[%dma_wait3A_63, %dma_wait3A_64] : memref<10240x128xf32, #tpu.memory_space<vmem_shared>> -> memref<10240x128xf32, #tpu.memory_space<vmem_shared>>
        tpu.wait_indirect_dma semaphore(%run_scoped3A : memref<!tpu.dma_semaphore, #tpu.memory_space<semaphore_mem>>) src(%arg9 : memref<128x128xf32, #tpu.memory_space<vmem>>) dst(%dma_wait3A_65 : memref<10240x128xf32, #tpu.memory_space<vmem_shared>>)
        tpu.yield
      }) : () -> ()
      %add3A_44 = arith.constant 1 : i32
      %add3A_45 = arith.addi %scan3A_28, %add3A_44 : i32
      %lt3A = arith.constant 20 : i32
      %lt3A_46 = arith.cmpi slt, %add3A_45, %lt3A : i32
      %convert_element_type3A = arith.extui %lt3A_46 : i1 to i32
      %cond3A = arith.constant 0 : i32
      %cond3A_47 = arith.cmpi ne, %convert_element_type3A, %cond3A : i32
      scf.if %cond3A_47 {
        %add3A_54 = arith.constant 2 : i32
        %add3A_55 = arith.addi %mul3A_30, %add3A_54 : i32
        %dma_start3A_56 = arith.constant 0 : i32
        %dma_start3A_57 = tpu.memref_slice %arg7[%add3A_55, %dma_start3A_56] : memref<40x128xi32, #tpu.memory_space<vmem>> -> memref<1x128xi32, #tpu.memory_space<vmem>>
        %dma_start3A_58 = tpu.memref_squeeze %dma_start3A_57 : memref<1x128xi32, #tpu.memory_space<vmem>> -> memref<128xi32, #tpu.memory_space<vmem>>
        %dma_start3A_59 = arith.constant 0 : i32
        %dma_start3A_60 = arith.constant 0 : i32
        %dma_start3A_61 = tpu.memref_slice %arg2[%dma_start3A_59, %dma_start3A_60] : memref<10240x128xf32, #tpu.memory_space<hbm>> -> memref<10240x128xf32, #tpu.memory_space<hbm>>
        tpu.enqueue_indirect_dma source(%dma_start3A_61 : memref<10240x128xf32, #tpu.memory_space<hbm>>) target(%arg9 : memref<128x128xf32, #tpu.memory_space<vmem>>) offsets(%dma_start3A_58 : memref<128xi32, #tpu.memory_space<vmem>>) semaphore(%arg12 : memref<!tpu.dma_semaphore, #tpu.memory_space<semaphore_mem>>)
      } else {
      }
      %dma_wait3A_48 = arith.constant 0 : i32
      %dma_wait3A_49 = tpu.memref_slice %arg7[%add3A_32, %dma_wait3A_48] : memref<40x128xi32, #tpu.memory_space<vmem>> -> memref<1x128xi32, #tpu.memory_space<vmem>>
      %dma_wait3A_50 = tpu.memref_squeeze %dma_wait3A_49 : memref<1x128xi32, #tpu.memory_space<vmem>> -> memref<128xi32, #tpu.memory_space<vmem>>
      %dma_wait3A_51 = arith.constant 0 : i32
      %dma_wait3A_52 = arith.constant 0 : i32
      %dma_wait3A_53 = tpu.memref_slice %arg2[%dma_wait3A_51, %dma_wait3A_52] : memref<10240x128xf32, #tpu.memory_space<hbm>> -> memref<10240x128xf32, #tpu.memory_space<hbm>>
      tpu.wait_indirect_dma semaphore(%arg13 : memref<!tpu.dma_semaphore, #tpu.memory_space<semaphore_mem>>) src(%dma_wait3A_53 : memref<10240x128xf32, #tpu.memory_space<hbm>>) dst(%arg10 : memref<128x128xf32, #tpu.memory_space<vmem>>)
      "tpu.region"() ({
        %run_scoped3A = tpu.sem_alloc : memref<!tpu.dma_semaphore, #tpu.memory_space<semaphore_mem>>
        %dma_start3A_54 = arith.constant 0 : i32
        %dma_start3A_55 = tpu.memref_slice %arg8[%add3A_32, %dma_start3A_54] : memref<40x128xi32, #tpu.memory_space<vmem>> -> memref<1x128xi32, #tpu.memory_space<vmem>>
        %dma_start3A_56 = tpu.memref_squeeze %dma_start3A_55 : memref<1x128xi32, #tpu.memory_space<vmem>> -> memref<128xi32, #tpu.memory_space<vmem>>
        %dma_start3A_57 = arith.constant 0 : i32
        %dma_start3A_58 = arith.constant 0 : i32
        %dma_start3A_59 = tpu.memref_slice %arg11[%dma_start3A_57, %dma_start3A_58] : memref<10240x128xf32, #tpu.memory_space<vmem_shared>> -> memref<10240x128xf32, #tpu.memory_space<vmem_shared>>
        tpu.enqueue_indirect_dma source(%arg10 : memref<128x128xf32, #tpu.memory_space<vmem>>) target(%dma_start3A_59 : memref<10240x128xf32, #tpu.memory_space<vmem_shared>>) offsets(%dma_start3A_56 : memref<128xi32, #tpu.memory_space<vmem>>) semaphore(%run_scoped3A : memref<!tpu.dma_semaphore, #tpu.memory_space<semaphore_mem>>) {add = true}
        %dma_wait3A_60 = arith.constant 0 : i32
        %dma_wait3A_61 = tpu.memref_slice %arg8[%add3A_32, %dma_wait3A_60] : memref<40x128xi32, #tpu.memory_space<vmem>> -> memref<1x128xi32, #tpu.memory_space<vmem>>
        %dma_wait3A_62 = tpu.memref_squeeze %dma_wait3A_61 : memref<1x128xi32, #tpu.memory_space<vmem>> -> memref<128xi32, #tpu.memory_space<vmem>>
        %dma_wait3A_63 = arith.constant 0 : i32
        %dma_wait3A_64 = arith.constant 0 : i32
        %dma_wait3A_65 = tpu.memref_slice %arg11[%dma_wait3A_63, %dma_wait3A_64] : memref<10240x128xf32, #tpu.memory_space<vmem_shared>> -> memref<10240x128xf32, #tpu.memory_space<vmem_shared>>
        tpu.wait_indirect_dma semaphore(%run_scoped3A : memref<!tpu.dma_semaphore, #tpu.memory_space<semaphore_mem>>) src(%arg10 : memref<128x128xf32, #tpu.memory_space<vmem>>) dst(%dma_wait3A_65 : memref<10240x128xf32, #tpu.memory_space<vmem_shared>>)
        tpu.yield
      }) : () -> ()
    }
    %scan3A_13 = arith.constant 20 : i32
    "tpu.region"() ({
      %run_scoped3A = tpu.sem_alloc : memref<!tpu.dma_semaphore, #tpu.memory_space<semaphore_mem>>
      %dma_start3A_28 = arith.constant 40 : i32
      %dma_start3A_29 = arith.constant 0 : i32
      %dma_start3A_30 = tpu.memref_slice %arg3[%add3A, %dma_start3A_28, %dma_start3A_29] : memref<32x80x128xi32, #tpu.memory_space<hbm>> -> memref<1x40x128xi32, #tpu.memory_space<hbm>>
      %dma_start3A_31 = tpu.memref_squeeze %dma_start3A_30 : memref<1x40x128xi32, #tpu.memory_space<hbm>> -> memref<40x128xi32, #tpu.memory_space<hbm>>
      %dma_start3A_32 = arith.constant 40 : i32
      %dma_start3A_33 = arith.constant 0 : i32
      %dma_start3A_34 = tpu.memref_slice %arg3[%add3A, %dma_start3A_32, %dma_start3A_33] : memref<32x80x128xi32, #tpu.memory_space<hbm>> -> memref<1x40x128xi32, #tpu.memory_space<hbm>>
      %dma_start3A_35 = tpu.memref_squeeze %dma_start3A_34 : memref<1x40x128xi32, #tpu.memory_space<hbm>> -> memref<40x128xi32, #tpu.memory_space<hbm>>
      tpu.enqueue_dma source(%dma_start3A_35 : memref<40x128xi32, #tpu.memory_space<hbm>>) target(%arg7 : memref<40x128xi32, #tpu.memory_space<vmem>>) target_semaphore(%run_scoped3A : memref<!tpu.dma_semaphore, #tpu.memory_space<semaphore_mem>>)
      %dma_wait3A = arith.constant 40 : i32
      %dma_wait3A_36 = arith.constant 0 : i32
      %dma_wait3A_37 = tpu.memref_slice %arg3[%add3A, %dma_wait3A, %dma_wait3A_36] : memref<32x80x128xi32, #tpu.memory_space<hbm>> -> memref<1x40x128xi32, #tpu.memory_space<hbm>>
      %dma_wait3A_38 = tpu.memref_squeeze %dma_wait3A_37 : memref<1x40x128xi32, #tpu.memory_space<hbm>> -> memref<40x128xi32, #tpu.memory_space<hbm>>
      %dma_wait3A_39 = arith.constant 40 : i32
      %dma_wait3A_40 = arith.constant 0 : i32
      %dma_wait3A_41 = tpu.memref_slice %arg3[%add3A, %dma_wait3A_39, %dma_wait3A_40] : memref<32x80x128xi32, #tpu.memory_space<hbm>> -> memref<1x40x128xi32, #tpu.memory_space<hbm>>
      %dma_wait3A_42 = tpu.memref_squeeze %dma_wait3A_41 : memref<1x40x128xi32, #tpu.memory_space<hbm>> -> memref<40x128xi32, #tpu.memory_space<hbm>>
      tpu.wait_dma2 semaphore(%run_scoped3A : memref<!tpu.dma_semaphore, #tpu.memory_space<semaphore_mem>>) src(%dma_wait3A_42 : memref<40x128xi32, #tpu.memory_space<hbm>>) dst(%arg7 : memref<40x128xi32, #tpu.memory_space<vmem>>)
      tpu.yield
    }) : () -> ()
    "tpu.region"() ({
      %run_scoped3A = tpu.sem_alloc : memref<!tpu.dma_semaphore, #tpu.memory_space<semaphore_mem>>
      %dma_start3A_28 = arith.constant 40 : i32
      %dma_start3A_29 = arith.constant 0 : i32
      %dma_start3A_30 = tpu.memref_slice %arg4[%add3A, %dma_start3A_28, %dma_start3A_29] : memref<32x80x128xi32, #tpu.memory_space<hbm>> -> memref<1x40x128xi32, #tpu.memory_space<hbm>>
      %dma_start3A_31 = tpu.memref_squeeze %dma_start3A_30 : memref<1x40x128xi32, #tpu.memory_space<hbm>> -> memref<40x128xi32, #tpu.memory_space<hbm>>
      %dma_start3A_32 = arith.constant 40 : i32
      %dma_start3A_33 = arith.constant 0 : i32
      %dma_start3A_34 = tpu.memref_slice %arg4[%add3A, %dma_start3A_32, %dma_start3A_33] : memref<32x80x128xi32, #tpu.memory_space<hbm>> -> memref<1x40x128xi32, #tpu.memory_space<hbm>>
      %dma_start3A_35 = tpu.memref_squeeze %dma_start3A_34 : memref<1x40x128xi32, #tpu.memory_space<hbm>> -> memref<40x128xi32, #tpu.memory_space<hbm>>
      tpu.enqueue_dma source(%dma_start3A_35 : memref<40x128xi32, #tpu.memory_space<hbm>>) target(%arg8 : memref<40x128xi32, #tpu.memory_space<vmem>>) target_semaphore(%run_scoped3A : memref<!tpu.dma_semaphore, #tpu.memory_space<semaphore_mem>>)
      %dma_wait3A = arith.constant 40 : i32
      %dma_wait3A_36 = arith.constant 0 : i32
      %dma_wait3A_37 = tpu.memref_slice %arg4[%add3A, %dma_wait3A, %dma_wait3A_36] : memref<32x80x128xi32, #tpu.memory_space<hbm>> -> memref<1x40x128xi32, #tpu.memory_space<hbm>>
      %dma_wait3A_38 = tpu.memref_squeeze %dma_wait3A_37 : memref<1x40x128xi32, #tpu.memory_space<hbm>> -> memref<40x128xi32, #tpu.memory_space<hbm>>
      %dma_wait3A_39 = arith.constant 40 : i32
      %dma_wait3A_40 = arith.constant 0 : i32
      %dma_wait3A_41 = tpu.memref_slice %arg4[%add3A, %dma_wait3A_39, %dma_wait3A_40] : memref<32x80x128xi32, #tpu.memory_space<hbm>> -> memref<1x40x128xi32, #tpu.memory_space<hbm>>
      %dma_wait3A_42 = tpu.memref_squeeze %dma_wait3A_41 : memref<1x40x128xi32, #tpu.memory_space<hbm>> -> memref<40x128xi32, #tpu.memory_space<hbm>>
      tpu.wait_dma2 semaphore(%run_scoped3A : memref<!tpu.dma_semaphore, #tpu.memory_space<semaphore_mem>>) src(%dma_wait3A_42 : memref<40x128xi32, #tpu.memory_space<hbm>>) dst(%arg8 : memref<40x128xi32, #tpu.memory_space<vmem>>)
      tpu.yield
    }) : () -> ()
    %dma_start3A_14 = arith.constant 0 : i32
    %dma_start3A_15 = arith.constant 0 : i32
    %dma_start3A_16 = tpu.memref_slice %arg7[%dma_start3A_14, %dma_start3A_15] : memref<40x128xi32, #tpu.memory_space<vmem>> -> memref<1x128xi32, #tpu.memory_space<vmem>>
    %dma_start3A_17 = tpu.memref_squeeze %dma_start3A_16 : memref<1x128xi32, #tpu.memory_space<vmem>> -> memref<128xi32, #tpu.memory_space<vmem>>
    %dma_start3A_18 = arith.constant 0 : i32
    %dma_start3A_19 = arith.constant 0 : i32
    %dma_start3A_20 = tpu.memref_slice %arg2[%dma_start3A_18, %dma_start3A_19] : memref<10240x128xf32, #tpu.memory_space<hbm>> -> memref<10240x128xf32, #tpu.memory_space<hbm>>
    tpu.enqueue_indirect_dma source(%dma_start3A_20 : memref<10240x128xf32, #tpu.memory_space<hbm>>) target(%arg9 : memref<128x128xf32, #tpu.memory_space<vmem>>) offsets(%dma_start3A_17 : memref<128xi32, #tpu.memory_space<vmem>>) semaphore(%arg12 : memref<!tpu.dma_semaphore, #tpu.memory_space<semaphore_mem>>)
    %scan3A_21 = arith.constant 0 : i32
    %scan3A_22 = arith.constant 0 : i32
    %scan3A_23 = arith.constant 20 : i32
    %scan3A_24 = arith.addi %scan3A_22, %scan3A_23 : i32
    %scan3A_25 = arith.constant 1 : i32
    scf.for %scan3A_28 = %scan3A_22 to %scan3A_24 step %scan3A_25  : i32 {
      %mul3A_29 = arith.constant 2 : i32
      %mul3A_30 = arith.muli %mul3A_29, %scan3A_28 : i32
      %add3A_31 = arith.constant 1 : i32
      %add3A_32 = arith.addi %mul3A_30, %add3A_31 : i32
      %dma_start3A_33 = arith.constant 0 : i32
      %dma_start3A_34 = tpu.memref_slice %arg7[%add3A_32, %dma_start3A_33] : memref<40x128xi32, #tpu.memory_space<vmem>> -> memref<1x128xi32, #tpu.memory_space<vmem>>
      %dma_start3A_35 = tpu.memref_squeeze %dma_start3A_34 : memref<1x128xi32, #tpu.memory_space<vmem>> -> memref<128xi32, #tpu.memory_space<vmem>>
      %dma_start3A_36 = arith.constant 0 : i32
      %dma_start3A_37 = arith.constant 0 : i32
      %dma_start3A_38 = tpu.memref_slice %arg2[%dma_start3A_36, %dma_start3A_37] : memref<10240x128xf32, #tpu.memory_space<hbm>> -> memref<10240x128xf32, #tpu.memory_space<hbm>>
      tpu.enqueue_indirect_dma source(%dma_start3A_38 : memref<10240x128xf32, #tpu.memory_space<hbm>>) target(%arg10 : memref<128x128xf32, #tpu.memory_space<vmem>>) offsets(%dma_start3A_35 : memref<128xi32, #tpu.memory_space<vmem>>) semaphore(%arg13 : memref<!tpu.dma_semaphore, #tpu.memory_space<semaphore_mem>>)
      %dma_wait3A = arith.constant 0 : i32
      %dma_wait3A_39 = tpu.memref_slice %arg7[%mul3A_30, %dma_wait3A] : memref<40x128xi32, #tpu.memory_space<vmem>> -> memref<1x128xi32, #tpu.memory_space<vmem>>
      %dma_wait3A_40 = tpu.memref_squeeze %dma_wait3A_39 : memref<1x128xi32, #tpu.memory_space<vmem>> -> memref<128xi32, #tpu.memory_space<vmem>>
      %dma_wait3A_41 = arith.constant 0 : i32
      %dma_wait3A_42 = arith.constant 0 : i32
      %dma_wait3A_43 = tpu.memref_slice %arg2[%dma_wait3A_41, %dma_wait3A_42] : memref<10240x128xf32, #tpu.memory_space<hbm>> -> memref<10240x128xf32, #tpu.memory_space<hbm>>
      tpu.wait_indirect_dma semaphore(%arg12 : memref<!tpu.dma_semaphore, #tpu.memory_space<semaphore_mem>>) src(%dma_wait3A_43 : memref<10240x128xf32, #tpu.memory_space<hbm>>) dst(%arg9 : memref<128x128xf32, #tpu.memory_space<vmem>>)
      "tpu.region"() ({
        %run_scoped3A = tpu.sem_alloc : memref<!tpu.dma_semaphore, #tpu.memory_space<semaphore_mem>>
        %dma_start3A_54 = arith.constant 0 : i32
        %dma_start3A_55 = tpu.memref_slice %arg8[%mul3A_30, %dma_start3A_54] : memref<40x128xi32, #tpu.memory_space<vmem>> -> memref<1x128xi32, #tpu.memory_space<vmem>>
        %dma_start3A_56 = tpu.memref_squeeze %dma_start3A_55 : memref<1x128xi32, #tpu.memory_space<vmem>> -> memref<128xi32, #tpu.memory_space<vmem>>
        %dma_start3A_57 = arith.constant 0 : i32
        %dma_start3A_58 = arith.constant 0 : i32
        %dma_start3A_59 = tpu.memref_slice %arg11[%dma_start3A_57, %dma_start3A_58] : memref<10240x128xf32, #tpu.memory_space<vmem_shared>> -> memref<10240x128xf32, #tpu.memory_space<vmem_shared>>
        tpu.enqueue_indirect_dma source(%arg9 : memref<128x128xf32, #tpu.memory_space<vmem>>) target(%dma_start3A_59 : memref<10240x128xf32, #tpu.memory_space<vmem_shared>>) offsets(%dma_start3A_56 : memref<128xi32, #tpu.memory_space<vmem>>) semaphore(%run_scoped3A : memref<!tpu.dma_semaphore, #tpu.memory_space<semaphore_mem>>) {add = true}
        %dma_wait3A_60 = arith.constant 0 : i32
        %dma_wait3A_61 = tpu.memref_slice %arg8[%mul3A_30, %dma_wait3A_60] : memref<40x128xi32, #tpu.memory_space<vmem>> -> memref<1x128xi32, #tpu.memory_space<vmem>>
        %dma_wait3A_62 = tpu.memref_squeeze %dma_wait3A_61 : memref<1x128xi32, #tpu.memory_space<vmem>> -> memref<128xi32, #tpu.memory_space<vmem>>
        %dma_wait3A_63 = arith.constant 0 : i32
        %dma_wait3A_64 = arith.constant 0 : i32
        %dma_wait3A_65 = tpu.memref_slice %arg11[%dma_wait3A_63, %dma_wait3A_64] : memref<10240x128xf32, #tpu.memory_space<vmem_shared>> -> memref<10240x128xf32, #tpu.memory_space<vmem_shared>>
        tpu.wait_indirect_dma semaphore(%run_scoped3A : memref<!tpu.dma_semaphore, #tpu.memory_space<semaphore_mem>>) src(%arg9 : memref<128x128xf32, #tpu.memory_space<vmem>>) dst(%dma_wait3A_65 : memref<10240x128xf32, #tpu.memory_space<vmem_shared>>)
        tpu.yield
      }) : () -> ()
      %add3A_44 = arith.constant 1 : i32
      %add3A_45 = arith.addi %scan3A_28, %add3A_44 : i32
      %lt3A = arith.constant 20 : i32
      %lt3A_46 = arith.cmpi slt, %add3A_45, %lt3A : i32
      %convert_element_type3A = arith.extui %lt3A_46 : i1 to i32
      %cond3A = arith.constant 0 : i32
      %cond3A_47 = arith.cmpi ne, %convert_element_type3A, %cond3A : i32
      scf.if %cond3A_47 {
        %add3A_54 = arith.constant 2 : i32
        %add3A_55 = arith.addi %mul3A_30, %add3A_54 : i32
        %dma_start3A_56 = arith.constant 0 : i32
        %dma_start3A_57 = tpu.memref_slice %arg7[%add3A_55, %dma_start3A_56] : memref<40x128xi32, #tpu.memory_space<vmem>> -> memref<1x128xi32, #tpu.memory_space<vmem>>
        %dma_start3A_58 = tpu.memref_squeeze %dma_start3A_57 : memref<1x128xi32, #tpu.memory_space<vmem>> -> memref<128xi32, #tpu.memory_space<vmem>>
        %dma_start3A_59 = arith.constant 0 : i32
        %dma_start3A_60 = arith.constant 0 : i32
        %dma_start3A_61 = tpu.memref_slice %arg2[%dma_start3A_59, %dma_start3A_60] : memref<10240x128xf32, #tpu.memory_space<hbm>> -> memref<10240x128xf32, #tpu.memory_space<hbm>>
        tpu.enqueue_indirect_dma source(%dma_start3A_61 : memref<10240x128xf32, #tpu.memory_space<hbm>>) target(%arg9 : memref<128x128xf32, #tpu.memory_space<vmem>>) offsets(%dma_start3A_58 : memref<128xi32, #tpu.memory_space<vmem>>) semaphore(%arg12 : memref<!tpu.dma_semaphore, #tpu.memory_space<semaphore_mem>>)
      } else {
      }
      %dma_wait3A_48 = arith.constant 0 : i32
      %dma_wait3A_49 = tpu.memref_slice %arg7[%add3A_32, %dma_wait3A_48] : memref<40x128xi32, #tpu.memory_space<vmem>> -> memref<1x128xi32, #tpu.memory_space<vmem>>
      %dma_wait3A_50 = tpu.memref_squeeze %dma_wait3A_49 : memref<1x128xi32, #tpu.memory_space<vmem>> -> memref<128xi32, #tpu.memory_space<vmem>>
      %dma_wait3A_51 = arith.constant 0 : i32
      %dma_wait3A_52 = arith.constant 0 : i32
      %dma_wait3A_53 = tpu.memref_slice %arg2[%dma_wait3A_51, %dma_wait3A_52] : memref<10240x128xf32, #tpu.memory_space<hbm>> -> memref<10240x128xf32, #tpu.memory_space<hbm>>
      tpu.wait_indirect_dma semaphore(%arg13 : memref<!tpu.dma_semaphore, #tpu.memory_space<semaphore_mem>>) src(%dma_wait3A_53 : memref<10240x128xf32, #tpu.memory_space<hbm>>) dst(%arg10 : memref<128x128xf32, #tpu.memory_space<vmem>>)
      "tpu.region"() ({
        %run_scoped3A = tpu.sem_alloc : memref<!tpu.dma_semaphore, #tpu.memory_space<semaphore_mem>>
        %dma_start3A_54 = arith.constant 0 : i32
        %dma_start3A_55 = tpu.memref_slice %arg8[%add3A_32, %dma_start3A_54] : memref<40x128xi32, #tpu.memory_space<vmem>> -> memref<1x128xi32, #tpu.memory_space<vmem>>
        %dma_start3A_56 = tpu.memref_squeeze %dma_start3A_55 : memref<1x128xi32, #tpu.memory_space<vmem>> -> memref<128xi32, #tpu.memory_space<vmem>>
        %dma_start3A_57 = arith.constant 0 : i32
        %dma_start3A_58 = arith.constant 0 : i32
        %dma_start3A_59 = tpu.memref_slice %arg11[%dma_start3A_57, %dma_start3A_58] : memref<10240x128xf32, #tpu.memory_space<vmem_shared>> -> memref<10240x128xf32, #tpu.memory_space<vmem_shared>>
        tpu.enqueue_indirect_dma source(%arg10 : memref<128x128xf32, #tpu.memory_space<vmem>>) target(%dma_start3A_59 : memref<10240x128xf32, #tpu.memory_space<vmem_shared>>) offsets(%dma_start3A_56 : memref<128xi32, #tpu.memory_space<vmem>>) semaphore(%run_scoped3A : memref<!tpu.dma_semaphore, #tpu.memory_space<semaphore_mem>>) {add = true}
        %dma_wait3A_60 = arith.constant 0 : i32
        %dma_wait3A_61 = tpu.memref_slice %arg8[%add3A_32, %dma_wait3A_60] : memref<40x128xi32, #tpu.memory_space<vmem>> -> memref<1x128xi32, #tpu.memory_space<vmem>>
        %dma_wait3A_62 = tpu.memref_squeeze %dma_wait3A_61 : memref<1x128xi32, #tpu.memory_space<vmem>> -> memref<128xi32, #tpu.memory_space<vmem>>
        %dma_wait3A_63 = arith.constant 0 : i32
        %dma_wait3A_64 = arith.constant 0 : i32
        %dma_wait3A_65 = tpu.memref_slice %arg11[%dma_wait3A_63, %dma_wait3A_64] : memref<10240x128xf32, #tpu.memory_space<vmem_shared>> -> memref<10240x128xf32, #tpu.memory_space<vmem_shared>>
        tpu.wait_indirect_dma semaphore(%run_scoped3A : memref<!tpu.dma_semaphore, #tpu.memory_space<semaphore_mem>>) src(%arg10 : memref<128x128xf32, #tpu.memory_space<vmem>>) dst(%dma_wait3A_65 : memref<10240x128xf32, #tpu.memory_space<vmem_shared>>)
        tpu.yield
      }) : () -> ()
    }
    %scan3A_26 = arith.constant 20 : i32
    %barrier3A_27 = arith.constant 0 : index
    tpu.barrier barrier_id(%barrier3A_27)
    "tpu.region"() ({
      %run_scoped3A = tpu.sem_alloc : memref<!tpu.dma_semaphore, #tpu.memory_space<semaphore_mem>>
      %dma_start3A_28 = arith.constant 0 : i32
      %dma_start3A_29 = tpu.memref_slice %arg6[%arg0, %mul3A_2, %dma_start3A_28] : memref<2x10240x128xf32, #tpu.memory_space<hbm>> -> memref<1x640x128xf32, #tpu.memory_space<hbm>>
      %dma_start3A_30 = tpu.memref_squeeze %dma_start3A_29 : memref<1x640x128xf32, #tpu.memory_space<hbm>> -> memref<640x128xf32, #tpu.memory_space<hbm>>
      %dma_start3A_31 = arith.constant 0 : i32
      %dma_start3A_32 = tpu.memref_slice %arg11[%mul3A_2, %dma_start3A_31] : memref<10240x128xf32, #tpu.memory_space<vmem_shared>> -> memref<640x128xf32, #tpu.memory_space<vmem_shared>>
      tpu.enqueue_dma source(%dma_start3A_32 : memref<640x128xf32, #tpu.memory_space<vmem_shared>>) target(%dma_start3A_30 : memref<640x128xf32, #tpu.memory_space<hbm>>) target_semaphore(%run_scoped3A : memref<!tpu.dma_semaphore, #tpu.memory_space<semaphore_mem>>)
      %dma_wait3A = arith.constant 0 : i32
      %dma_wait3A_33 = tpu.memref_slice %arg6[%arg0, %mul3A_2, %dma_wait3A] : memref<2x10240x128xf32, #tpu.memory_space<hbm>> -> memref<1x640x128xf32, #tpu.memory_space<hbm>>
      %dma_wait3A_34 = tpu.memref_squeeze %dma_wait3A_33 : memref<1x640x128xf32, #tpu.memory_space<hbm>> -> memref<640x128xf32, #tpu.memory_space<hbm>>
      %dma_wait3A_35 = arith.constant 0 : i32
      %dma_wait3A_36 = tpu.memref_slice %arg11[%mul3A_2, %dma_wait3A_35] : memref<10240x128xf32, #tpu.memory_space<vmem_shared>> -> memref<640x128xf32, #tpu.memory_space<vmem_shared>>
      tpu.wait_dma2 semaphore(%run_scoped3A : memref<!tpu.dma_semaphore, #tpu.memory_space<semaphore_mem>>) src(%dma_wait3A_36 : memref<640x128xf32, #tpu.memory_space<vmem_shared>>) dst(%dma_wait3A_34 : memref<640x128xf32, #tpu.memory_space<hbm>>)
      tpu.yield
    }) : () -> ()
    return
  }
}

module attributes {stable_mosaic.version = 14 : i64} {
  func.func @_prep_body(%arg0: memref<10000x128xf32, #tpu.memory_space<vmem>>, %arg1: memref<10240x1xf32, #tpu.memory_space<vmem>>, %arg2: memref<10240x1xf32, #tpu.memory_space<vmem>>, %arg3: memref<10240x1xf32, #tpu.memory_space<vmem>>, %arg4: memref<10240x1xf32, #tpu.memory_space<vmem>>, %arg5: memref<10240x128xf32, #tpu.memory_space<vmem>>, %arg6: memref<10240x1xf32, #tpu.memory_space<vmem>>, %arg7: memref<10240x1xf32, #tpu.memory_space<vmem>>) attributes {dimension_semantics = [], scalar_prefetch = 0 : i64, scratch_operands = 0 : i64, tpu.core_type = #tpu.core_type<tc>} {
    %get3A = arith.constant 0 : index
    %get3A_0 = arith.constant 0 : index
    %get3A_1 = vector.load %arg1[%get3A, %get3A_0] : memref<10240x1xf32, #tpu.memory_space<vmem>>, vector<10240x1xf32>
    %get3A_2 = arith.constant 0 : index
    %get3A_3 = arith.constant 0 : index
    %get3A_4 = vector.load %arg2[%get3A_2, %get3A_3] : memref<10240x1xf32, #tpu.memory_space<vmem>>, vector<10240x1xf32>
    %add3A = arith.addf %get3A_1, %get3A_4 : vector<10240x1xf32>
    %get3A_5 = arith.constant 0 : index
    %get3A_6 = arith.constant 0 : index
    %get3A_7 = vector.load %arg3[%get3A_5, %get3A_6] : memref<10240x1xf32, #tpu.memory_space<vmem>>, vector<10240x1xf32>
    %get3A_8 = arith.constant 0 : index
    %get3A_9 = arith.constant 0 : index
    %get3A_10 = vector.load %arg4[%get3A_8, %get3A_9] : memref<10240x1xf32, #tpu.memory_space<vmem>>, vector<10240x1xf32>
    %add3A_11 = arith.addf %get3A_7, %get3A_10 : vector<10240x1xf32>
    %max3A = arith.constant 1.000000e+00 : f32
    %max3A_12 = vector.broadcast %max3A : f32 to vector<10240x1xf32>
    %max3A_13 = arith.maximumf %add3A, %max3A_12 : vector<10240x1xf32>
    %rsqrt3A = math.rsqrt %max3A_13 : vector<10240x1xf32>
    %max3A_14 = arith.constant 1.000000e+00 : f32
    %max3A_15 = vector.broadcast %max3A_14 : f32 to vector<10240x1xf32>
    %max3A_16 = arith.maximumf %add3A_11, %max3A_15 : vector<10240x1xf32>
    %rsqrt3A_17 = math.rsqrt %max3A_16 : vector<10240x1xf32>
    %swap3A = arith.constant 0 : index
    %swap3A_18 = arith.constant 0 : index
    %swap3A_19 = vector.load %arg6[%swap3A, %swap3A_18] : memref<10240x1xf32, #tpu.memory_space<vmem>>, vector<10240x1xf32>
    tpu.vector_store %arg6[%swap3A, %swap3A_18], %rsqrt3A {strides = array<i32>} : memref<10240x1xf32, #tpu.memory_space<vmem>>, vector<10240x1xf32>,
    %swap3A_20 = arith.constant 0 : index
    %swap3A_21 = arith.constant 0 : index
    %swap3A_22 = vector.load %arg7[%swap3A_20, %swap3A_21] : memref<10240x1xf32, #tpu.memory_space<vmem>>, vector<10240x1xf32>
    tpu.vector_store %arg7[%swap3A_20, %swap3A_21], %rsqrt3A_17 {strides = array<i32>} : memref<10240x1xf32, #tpu.memory_space<vmem>>, vector<10240x1xf32>,
    %get3A_23 = arith.constant 0 : index
    %get3A_24 = arith.constant 0 : index
    %get3A_25 = vector.load %arg0[%get3A_23, %get3A_24] : memref<10000x128xf32, #tpu.memory_space<vmem>>, vector<10000x128xf32>
    %slice3A = vector.extract_strided_slice %rsqrt3A {offsets = [0, 0], sizes = [10000, 1], strides = [1, 1]} : vector<10240x1xf32> to vector<10000x1xf32>
    %mul3A = vector.broadcast %slice3A : vector<10000x1xf32> to vector<10000x128xf32>
    %mul3A_26 = arith.mulf %get3A_25, %mul3A : vector<10000x128xf32>
    %swap3A_27 = arith.constant 0 : index
    %swap3A_28 = arith.constant 0 : index
    %swap3A_29 = vector.load %arg5[%swap3A_27, %swap3A_28] : memref<10240x128xf32, #tpu.memory_space<vmem>>, vector<10000x128xf32>
    tpu.vector_store %arg5[%swap3A_27, %swap3A_28], %mul3A_26 {strides = array<i32>} : memref<10240x128xf32, #tpu.memory_space<vmem>>, vector<10000x128xf32>,
    %broadcast_in_dim3A = arith.constant 0.000000e+00 : f32
    %broadcast_in_dim3A_30 = vector.broadcast %broadcast_in_dim3A : f32 to vector<240x128xf32>
    %swap3A_31 = arith.constant 10000 : index
    %swap3A_32 = arith.constant 0 : index
    %swap3A_33 = vector.load %arg5[%swap3A_31, %swap3A_32] : memref<10240x128xf32, #tpu.memory_space<vmem>>, vector<240x128xf32>
    tpu.vector_store %arg5[%swap3A_31, %swap3A_32], %broadcast_in_dim3A_30 {strides = array<i32>} : memref<10240x128xf32, #tpu.memory_space<vmem>>, vector<240x128xf32>,
    return
  }
}

module attributes {stable_mosaic.version = 14 : i64} {
  func.func @_layer_a_body(%arg0: memref<2x10240x128xf32, #tpu.memory_space<vmem>>, %arg1: memref<10240x1xf32, #tpu.memory_space<vmem>>, %arg2: memref<128x128xf32, #tpu.memory_space<vmem>>, %arg3: memref<1x128xf32, #tpu.memory_space<vmem>>, %arg4: memref<10240x1xf32, #tpu.memory_space<vmem>>, %arg5: memref<10240x128xf32, #tpu.memory_space<vmem>>) attributes {dimension_semantics = [], scalar_prefetch = 0 : i64, scratch_operands = 0 : i64, tpu.core_type = #tpu.core_type<tc>} {
    %get3A = arith.constant 0 : index
    %get3A_0 = arith.constant 0 : index
    %get3A_1 = arith.constant 0 : index
    %get3A_2 = vector.load %arg0[%get3A, %get3A_0, %get3A_1] : memref<2x10240x128xf32, #tpu.memory_space<vmem>>, vector<1x10240x128xf32>
    %get3A_3 = vector.shape_cast %get3A_2 : vector<1x10240x128xf32> to vector<10240x128xf32>
    %get3A_4 = arith.constant 1 : index
    %get3A_5 = arith.constant 0 : index
    %get3A_6 = arith.constant 0 : index
    %get3A_7 = vector.load %arg0[%get3A_4, %get3A_5, %get3A_6] : memref<2x10240x128xf32, #tpu.memory_space<vmem>>, vector<1x10240x128xf32>
    %get3A_8 = vector.shape_cast %get3A_7 : vector<1x10240x128xf32> to vector<10240x128xf32>
    %add3A = arith.addf %get3A_3, %get3A_8 : vector<10240x128xf32>
    %get3A_9 = arith.constant 0 : index
    %get3A_10 = arith.constant 0 : index
    %get3A_11 = vector.load %arg1[%get3A_9, %get3A_10] : memref<10240x1xf32, #tpu.memory_space<vmem>>, vector<10240x1xf32>
    %mul3A = vector.broadcast %get3A_11 : vector<10240x1xf32> to vector<10240x128xf32>
    %mul3A_12 = arith.mulf %add3A, %mul3A : vector<10240x128xf32>
    %get3A_13 = arith.constant 0 : index
    %get3A_14 = arith.constant 0 : index
    %get3A_15 = vector.load %arg2[%get3A_13, %get3A_14] : memref<128x128xf32, #tpu.memory_space<vmem>>, vector<128x128xf32>
    %dot_general3A = arith.constant dense<0.000000e+00> : vector<10240x128xf32>
    %dot_general3A_16 = tpu.matmul %mul3A_12, %get3A_15, %dot_general3A {dimension_numbers = #tpu.dot_dimension_numbers<[1], [0], [0], [1], [0, 0, 1, 1], [], []>, transpose_lhs_hint = false} : vector<10240x128xf32>, vector<128x128xf32>, vector<10240x128xf32> -> vector<10240x128xf32>
    %get3A_17 = arith.constant 0 : index
    %get3A_18 = arith.constant 0 : index
    %get3A_19 = vector.load %arg3[%get3A_17, %get3A_18] : memref<1x128xf32, #tpu.memory_space<vmem>>, vector<1x128xf32>
    %add3A_20 = vector.broadcast %get3A_19 : vector<1x128xf32> to vector<10240x128xf32>
    %add3A_21 = arith.addf %dot_general3A_16, %add3A_20 : vector<10240x128xf32>
    %max3A = arith.constant 0.000000e+00 : f32
    %max3A_22 = vector.broadcast %max3A : f32 to vector<10240x128xf32>
    %max3A_23 = arith.maximumf %add3A_21, %max3A_22 : vector<10240x128xf32>
    %get3A_24 = arith.constant 0 : index
    %get3A_25 = arith.constant 0 : index
    %get3A_26 = vector.load %arg4[%get3A_24, %get3A_25] : memref<10240x1xf32, #tpu.memory_space<vmem>>, vector<10240x1xf32>
    %mul3A_27 = vector.broadcast %get3A_26 : vector<10240x1xf32> to vector<10240x128xf32>
    %mul3A_28 = arith.mulf %max3A_23, %mul3A_27 : vector<10240x128xf32>
    %swap3A = arith.constant 0 : index
    %swap3A_29 = arith.constant 0 : index
    %swap3A_30 = vector.load %arg5[%swap3A, %swap3A_29] : memref<10240x128xf32, #tpu.memory_space<vmem>>, vector<10240x128xf32>
    tpu.vector_store %arg5[%swap3A, %swap3A_29], %mul3A_28 {strides = array<i32>} : memref<10240x128xf32, #tpu.memory_space<vmem>>, vector<10240x128xf32>,
    return
  }
}

module attributes {stable_mosaic.version = 14 : i64} {
  func.func @_layer_b_body(%arg0: memref<2x10240x128xf32, #tpu.memory_space<vmem>>, %arg1: memref<10240x1xf32, #tpu.memory_space<vmem>>, %arg2: memref<128x128xf32, #tpu.memory_space<vmem>>, %arg3: memref<1x128xf32, #tpu.memory_space<vmem>>, %arg4: memref<128x1xf32, #tpu.memory_space<vmem>>, %arg5: memref<1x1xf32, #tpu.memory_space<vmem>>, %arg6: memref<1x1xf32, #tpu.memory_space<vmem>>) attributes {dimension_semantics = [], scalar_prefetch = 0 : i64, scratch_operands = 0 : i64, tpu.core_type = #tpu.core_type<tc>} {
    %get3A = arith.constant 0 : index
    %get3A_0 = arith.constant 0 : index
    %get3A_1 = arith.constant 0 : index
    %get3A_2 = vector.load %arg0[%get3A, %get3A_0, %get3A_1] : memref<2x10240x128xf32, #tpu.memory_space<vmem>>, vector<1x10000x128xf32>
    %get3A_3 = vector.shape_cast %get3A_2 : vector<1x10000x128xf32> to vector<10000x128xf32>
    %get3A_4 = arith.constant 1 : index
    %get3A_5 = arith.constant 0 : index
    %get3A_6 = arith.constant 0 : index
    %get3A_7 = vector.load %arg0[%get3A_4, %get3A_5, %get3A_6] : memref<2x10240x128xf32, #tpu.memory_space<vmem>>, vector<1x10000x128xf32>
    %get3A_8 = vector.shape_cast %get3A_7 : vector<1x10000x128xf32> to vector<10000x128xf32>
    %add3A = arith.addf %get3A_3, %get3A_8 : vector<10000x128xf32>
    %get3A_9 = arith.constant 0 : index
    %get3A_10 = arith.constant 0 : index
    %get3A_11 = vector.load %arg1[%get3A_9, %get3A_10] : memref<10240x1xf32, #tpu.memory_space<vmem>>, vector<10000x1xf32>
    %mul3A = vector.broadcast %get3A_11 : vector<10000x1xf32> to vector<10000x128xf32>
    %mul3A_12 = arith.mulf %add3A, %mul3A : vector<10000x128xf32>
    %get3A_13 = arith.constant 0 : index
    %get3A_14 = arith.constant 0 : index
    %get3A_15 = vector.load %arg2[%get3A_13, %get3A_14] : memref<128x128xf32, #tpu.memory_space<vmem>>, vector<128x128xf32>
    %dot_general3A = arith.constant dense<0.000000e+00> : vector<10000x128xf32>
    %dot_general3A_16 = tpu.matmul %mul3A_12, %get3A_15, %dot_general3A {dimension_numbers = #tpu.dot_dimension_numbers<[1], [0], [0], [1], [0, 0, 1, 1], [], []>, transpose_lhs_hint = false} : vector<10000x128xf32>, vector<128x128xf32>, vector<10000x128xf32> -> vector<10000x128xf32>
    %get3A_17 = arith.constant 0 : index
    %get3A_18 = arith.constant 0 : index
    %get3A_19 = vector.load %arg3[%get3A_17, %get3A_18] : memref<1x128xf32, #tpu.memory_space<vmem>>, vector<1x128xf32>
    %add3A_20 = vector.broadcast %get3A_19 : vector<1x128xf32> to vector<10000x128xf32>
    %add3A_21 = arith.addf %dot_general3A_16, %add3A_20 : vector<10000x128xf32>
    %max3A = arith.constant 0.000000e+00 : f32
    %max3A_22 = vector.broadcast %max3A : f32 to vector<10000x128xf32>
    %max3A_23 = arith.maximumf %add3A_21, %max3A_22 : vector<10000x128xf32>
    %reduce_sum3A = arith.constant dense<0.000000e+00> : vector<128xf32>
    %reduce_sum3A_24 = vector.multi_reduction <add>, %max3A_23, %reduce_sum3A [0] : vector<10000x128xf32> to vector<128xf32>
    %broadcast_in_dim3A = vector.shape_cast %reduce_sum3A_24 : vector<128xf32> to vector<1x128xf32>
    %mul3A_25 = arith.constant 9.99999974E-5 : f32
    %mul3A_26 = vector.broadcast %mul3A_25 : f32 to vector<1x128xf32>
    %mul3A_27 = arith.mulf %broadcast_in_dim3A, %mul3A_26 : vector<1x128xf32>
    %get3A_28 = arith.constant 0 : index
    %get3A_29 = arith.constant 0 : index
    %get3A_30 = vector.load %arg4[%get3A_28, %get3A_29] : memref<128x1xf32, #tpu.memory_space<vmem>>, vector<128x1xf32>
    %dot_general3A_31 = arith.constant dense<0.000000e+00> : vector<1x1xf32>
    %dot_general3A_32 = tpu.matmul %mul3A_27, %get3A_30, %dot_general3A_31 {dimension_numbers = #tpu.dot_dimension_numbers<[1], [0], [0], [1], [0, 0, 1, 1], [], []>, transpose_lhs_hint = false} : vector<1x128xf32>, vector<128x1xf32>, vector<1x1xf32> -> vector<1x1xf32>
    %get3A_33 = arith.constant 0 : index
    %get3A_34 = arith.constant 0 : index
    %get3A_35 = vector.load %arg5[%get3A_33, %get3A_34] : memref<1x1xf32, #tpu.memory_space<vmem>>, vector<1x1xf32>
    %add3A_36 = arith.addf %dot_general3A_32, %get3A_35 : vector<1x1xf32>
    %neg3A = arith.constant 0.000000e+00 : f32
    %neg3A_37 = vector.broadcast %neg3A : f32 to vector<1x1xf32>
    %neg3A_38 = arith.subf %neg3A_37, %add3A_36 : vector<1x1xf32>
    %exp3A = math.exp %neg3A_38 : vector<1x1xf32>
    %add3A_39 = arith.constant 1.000000e+00 : f32
    %add3A_40 = vector.broadcast %add3A_39 : f32 to vector<1x1xf32>
    %add3A_41 = arith.addf %add3A_40, %exp3A : vector<1x1xf32>
    %div3A = arith.constant 1.000000e+00 : f32
    %div3A_42 = vector.broadcast %div3A : f32 to vector<1x1xf32>
    %div3A_43 = arith.divf %div3A_42, %add3A_41 : vector<1x1xf32>
    %swap3A = arith.constant 0 : index
    %swap3A_44 = arith.constant 0 : index
    %swap3A_45 = vector.load %arg6[%swap3A, %swap3A_44] : memref<1x1xf32, #tpu.memory_space<vmem>>, vector<1x1xf32>
    tpu.vector_store %arg6[%swap3A, %swap3A_44], %div3A_43 {strides = array<i32>} : memref<1x1xf32, #tpu.memory_space<vmem>>, vector<1x1xf32>,
    return
  }
}

</mosaic_0001>

<sc_bundles>
// kernel: kernel.11.cloned.1.call-start
scs
__scs_entry_jumppad:
0x0: {  	(pc) =	sbr.rel $0x88, $3  }
0x1: {  	(tag) =	ssettag $0x0;
	lr =	simm.s32 $0x1  }
0x2: {  	[smem:$0x3F99] =	sst lr;
	_ =	strace $0xD0000000  }
0x3: {  	_ = 	snop  }
0x4: {  	_ = 	snop  }
0x5: {  	_ = 	snop  }
0x6: {  	_ = 	snop  }
0x7: {  	_ = 	snop  }
__scs_overlays_trampoline_lowered:
0x8: {  	[smem:$0x3FA8] =	sst s0  }
0x9: {  	[smem:$0x3FA9] =	sst s1  }
0xa: {  	[smem:$0x3FAA] =	sst s2  }
0xb: {  	[smem:$0x3FAB] =	sst s3  }
0xc: {  	[smem:$0x3FAC] =	sst s4  }
0xd: {  	[smem:$0x3FAD] =	sst s5  }
0xe: {  	[smem:$0x3FAE] =	sst s6  }
0xf: {  	[smem:$0x3FAF] =	sst s7  }
0x10: {  	[smem:$0x3FB0] =	sst s8  }
0x11: {  	[smem:$0x3FB1] =	sst s9;
	s0 =	simm.s32 @!p0 $0x0  }
0x12: {  	s1 =	sld [smem:$0x3F97];
	s0 =	simm.s32 @p0 $0x1  }
0x13: {  	[smem:$0x3FB2] =	sst s0;
	s0 =	simm.s32 @!p1 $0x0  }
0x14: {  	s2 =	sld [smem:$0x3F96];
	s0 =	simm.s32 @p1 $0x1  }
0x15: {  	[smem:$0x3FB3] =	sst s0;
	s0 =	simm.s32 @!p2 $0x0  }
0x16: {  	s3 =	sld [smem:$0x3FDB];
	s0 =	simm.s32 @p2 $0x1  }
0x17: {  	s4 =	simm.s32 $0x1BF5;
	[smem:$0x3FB5] =	sst s0  }
0x18: {  	s0 =	sld [smem:$0x3F98];
	_ =	swait.ge [sflag:s4], $0x0  }
0x19: {  	s7 =	sld [smem:$0x3F99]  }
0x1a: {  	s8 =	sadd.s32 $0xFFFFE003, lr  }
0x1b: {  	s9 =	sadd.s32 $0xFFFFFEF7, lr;
	s5 =	simm.s32 $0xFFFFFFFF;
	p2 =	slt.u32 s8, $0xFFFFF086  }
0x1c: {  	p1 =	slt.u32 s9, $0xF7A;
	s5 =	simm.s32 @!p2 $0x0  }
0x1d: {  	s5 =	simm.s32 @p1 $0x1;
	p0 =	seq.s32 s7, s2  }
0x1e: {  	s7 =	smul.u32 @!p0 $0xF7A, s2;
	p2 =	seq.s32 @!p0 s5, $0x0  }
0x1f: {  	s9 =	smul.u32 $0xF7A, s1;
	s8 =	simm.s32 @!p0 $0x1BF5;
	p2 =	por !p2, p0  }
0x20: {  	[sflag:s8] =	ssyncset.s32 @!p0 $0xFFFFF086;
	s6 =	sadd.s32 @!p0 s3, s7;
	s7 =	simm.s32 @!p0 $0x108  }
0x21: {  	s3 =	sadd.s32 s3, s9;
	s6 =	sadd.s32 @!p0 $0x88, s6;
	s7 =	simm.s32 @p2 $0x1082  }
0x22: {  	[simem:s7], [sflag:s8] =	dma.local @!p0 [hbm:s6], $0xF7A  }
0x23: {  	s9 =	sor.u32 $0xD0000000, s2;
	s6 =	simm.s32 $0x108;
	_ =	swait.ge @!p0 [sflag:s8], $0x0  }
0x24: {  	s3 =	sadd.s32 $0x88, s3;
	s6 =	simm.s32 @!p1 $0x1082;
	[sflag:s4] =	ssyncset.s32 $0xFFFFF086  }
0x25: {  	[simem:s6], [sflag:s4] =	dma.local [hbm:s3], $0xF7A  }
0x26: {  	[smem:$0x3F99] =	sst s1;
	(tag) =	ssettag s2;
	_ =	strace s9  }
0x27: {  	s1 =	sld [smem:$0x3FA9]  }
0x28: {  	s2 =	sld [smem:$0x3FAA]  }
0x29: {  	s4 =	sld [smem:$0x3FAC]  }
0x2a: {  	p0 =	seq.s32 s5, $0x0;
	s5 =	sld [smem:$0x3FAD]  }
0x2b: {  	s6 =	sld [smem:$0x3FAE]  }
0x2c: {  	s7 =	sld [smem:$0x3FAF]  }
0x2d: {  	s3 =	simm.s32 $0x108;
	s8 =	sld [smem:$0x3FB0]  }
0x2e: {  	s3 =	simm.s32 @!p0 $0x1082;
	s9 =	sld [smem:$0x3FB1]  }
0x2f: {  	lr =	sadd.s32 s0, s3;
	s0 =	sld [smem:$0x3FA8]  }
0x30: {  	s3 =	sld [smem:$0x3FAB]  }
0x31: {  	[smem:$0x3FB4] =	sst s10  }
0x32: {  	s10 =	sld [smem:$0x3FB2];
	_ =	sdelay $0x3  }
0x33: {  	p0 =	seq.s32 s10, $0x1;
	s10 =	sld [smem:$0x3FB4];
	_ =	sdelay $0x3  }
0x34: {  	[smem:$0x3FB4] =	sst s10  }
0x35: {  	s10 =	sld [smem:$0x3FB3];
	_ =	sdelay $0x3  }
0x36: {  	p1 =	seq.s32 s10, $0x1;
	s10 =	sld [smem:$0x3FB4];
	_ =	sdelay $0x3  }
0x37: {  	[smem:$0x3FB4] =	sst s10  }
0x38: {  	s10 =	sld [smem:$0x3FB5]  }
0x39: {  	_ = 	snop;
	(pc) =	sbr.ind lr, $3  }
0x3a: {  	_ = 	snop  }
0x3b: {  	_ = 	snop  }
0x3c: {  	p2 =	seq.s32 s10, $0x1;
	s10 =	sld [smem:$0x3FB4]  }
0x3d: {  	_ =	shalt  }
0x3e: {  	_ =	shalt  }
0x3f: {  	_ =	shalt  }
0x40: {  	_ =	shalt  }
0x41: {  	_ =	shalt  }
0x42: {  	_ =	shalt  }
0x43: {  	_ =	shalt  }
0x44: {  	_ =	shalt  }
0x45: {  	_ =	shalt  }
0x46: {  	_ =	shalt  }
0x47: {  	_ =	shalt  }
0x48: {  	_ =	shalt  }
0x49: {  	_ =	shalt  }
0x4a: {  	_ =	shalt  }
0x4b: {  	_ =	shalt  }
0x4c: {  	_ =	shalt  }
0x4d: {  	_ =	shalt  }
0x4e: {  	_ =	shalt  }
0x4f: {  	_ =	shalt  }
0x50: {  	_ =	shalt  }
0x51: {  	_ =	shalt  }
0x52: {  	_ =	shalt  }
0x53: {  	_ =	shalt  }
0x54: {  	_ =	shalt  }
0x55: {  	_ =	shalt  }
0x56: {  	_ =	shalt  }
0x57: {  	_ =	shalt  }
0x58: {  	_ =	shalt  }
0x59: {  	_ =	shalt  }
0x5a: {  	_ =	shalt  }
0x5b: {  	_ =	shalt  }
0x5c: {  	_ =	shalt  }
0x5d: {  	_ =	shalt  }
0x5e: {  	_ =	shalt  }
0x5f: {  	_ =	shalt  }
0x60: {  	_ =	shalt  }
0x61: {  	_ =	shalt  }
0x62: {  	_ =	shalt  }
0x63: {  	_ =	shalt  }
0x64: {  	_ =	shalt  }
0x65: {  	_ =	shalt  }
0x66: {  	_ =	shalt  }
0x67: {  	_ =	shalt  }
0x68: {  	_ =	shalt  }
0x69: {  	_ =	shalt  }
0x6a: {  	_ =	shalt  }
0x6b: {  	_ =	shalt  }
0x6c: {  	_ =	shalt  }
0x6d: {  	_ =	shalt  }
0x6e: {  	_ =	shalt  }
0x6f: {  	_ =	shalt  }
0x70: {  	_ =	shalt  }
0x71: {  	_ =	shalt  }
0x72: {  	_ =	shalt  }
0x73: {  	_ =	shalt  }
0x74: {  	_ =	shalt  }
0x75: {  	_ =	shalt  }
0x76: {  	_ =	shalt  }
0x77: {  	_ =	shalt  }
0x78: {  	_ =	shalt  }
0x79: {  	_ =	shalt  }
0x7a: {  	_ =	shalt  }
0x7b: {  	_ =	shalt  }
0x7c: {  	_ =	shalt  }
0x7d: {  	_ =	shalt  }
0x7e: {  	_ =	shalt  }
0x7f: {  	_ =	shalt  }
0x80: {  	_ =	shalt  }
0x81: {  	_ =	shalt  }
0x82: {  	_ =	shalt  }
0x83: {  	_ =	shalt  }
0x84: {  	_ =	shalt  }
0x85: {  	_ =	shalt  }
0x86: {  	_ =	shalt  }
0x87: {  	_ =	shalt  }
.Lfunc_end0:
.L_simem_size_0:
called_computation.1_lowered:
.L_overlay_start_0:
0x88: {  	s2 =	sld [smem:$0x3FD9]  }
0x89: {  	s3 =	sld [smem:$0x3FFE];
	_ =	sdelay $0x1  }
0x8a: {  	s1 =	srdreg.scid  }
0x8b: {  	s0 =	sand.u32 $0x1, s1  }
0x8c: {  	s16 =	sshll.u32 s0, $0xA;
	s2 =	sadd.s32 s3, s2  }
0x8d: {  	s2 =	sadd.s32 s2, s16  }
0x8e: {  	[smem:$0x3FC0] =	sst s2  }
0x8f: {  	_ = 	snop  }
0x90: {  	(tm) =	ssettm $0x1  }
0x91: {  	s17 =	sld [smem:$0x3FFB];
	_ =	sdelay $0x3  }
0x92: {  	_ =	strace s17  }
0x93: {  	s2 =	sld [smem:$0x3FFC];
	_ =	sdelay $0x3  }
0x94: {  	_ =	strace s2  }
0x95: {  	s2 =	sld [smem:$0x3FFD];
	_ =	sdelay $0x3  }
0x96: {  	_ =	strace s2  }
0x97: {  	_ =	strace $0x8FFFFFFF  }
0x98: {  	s18 =	sld [smem:$0x3FDB];
	_ =	sdelay $0x1  }
0x99: {  	s19 =	simm.s32 $_scs_section_size  }
0x9a: {  	s4 =	simm.s32 $_size__tile_overlayer_lowered;
	s5 =	simm.s32 $_tile_overlayer_lowered  }
0x9b: {  	s22 =	simm.s32 $0x1BFF;
	s21 =	sshll.u32 s5, $0x1;
	s2 =	sadd.s32 s19, s18  }
0x9c: {  	s6 =	simm.s32 $0x0;
	s20 =	sshll.u32 s4, $0x1;
	s4 =	sadd.s32 s21, s2  }
0x9d: {  	[timem:s6], [sflag:s22] =	dma.local [hbm:s4], s20  }
0x9e: {  	_ =	swait.ge [sflag:s22], s20  }
0x9f: {  	s3 =	ssub.s32 $0x0, s20;
	[sflag:s22] =	ssyncset.done $0x0  }
0xa0: {  	[sflag:s22] =	ssyncadd.s32 s3;
	_ =	sdelay $0x1  }
0xa1: {  	s23 =	simm.s32 $0x1B8B  }
0xa2: {  	_ =	swait.ge [sflag:s23], $0x1  }
0xa3: {  	[sflag:s23] =	ssyncset.done $0x0  }
0xa4: {  	s25 =	simm.s32 $0x1B8E;
	s24 =	sld [smem:$0x3FFE];
	[sflag:s23] =	ssyncadd.s32 $0xFFFFFFFF  }
0xa5: {  	s26 =	simm.s32 $execute0_lowered;
	[smem:$0x3FD2] =	sst s25  }
0xa6: {  	s4 =	sshll.u32 s26, $0x1;
	_ =	strace $0x80000049;
	[dreg:$0x1] =	wrdreg $0xFFFFFFFF  }
0xa7: {  	s28 =	simm.s32 $_size_execute0_lowered;
	s2 =	sadd.s32 s2, s4;
	[dreg:$0x0] =	wrdreg $0x0  }
0xa8: {  	s4 =	sshll.u32 s28, $0x1;
	[dreg:$0x2] =	wrdreg s2  }
0xa9: {  	[dreg:$0x3] =	wrdreg s4  }
0xaa: {  	[dreg:$0x4] =	wrdreg $0xC0  }
0xab: {  	_ =	task [dreg:s6], $0x5FFFF  }
0xac: {  	[dreg:$0x1] =	wrdreg $0xFFFFFFFF  }
0xad: {  	[dreg:$0x0] =	wrdreg $0x60  }
0xae: {  	[dreg:$0x2] =	wrdreg s24  }
0xaf: {  	[dreg:$0x3] =	wrdreg $0xA8000  }
0xb0: {  	[dreg:$0x4] =	wrdreg $0x9  }
0xb1: {  	_ =	task.clear_ibuf [dreg:s6], $0x5FFFF;
	_ =	strace $0x90000049  }
0xb2: {  	s29 =	simm.s32 $0x9;
	_ =	strace $0x8000004B  }
0xb3: {  	_ =	swait.ge [sflag:s29], $0x1  }
0xb4: {  	[sflag:s29] =	ssyncadd.s32 $0xFFFFFFFF  }
0xb5: {  	_ =	strace $0x9000004B  }
0xb6: {  	_ =	sfence  }
0xb7: {  	s30 =	sld [smem:$0x0];
	_ =	sdelay $0x2  }
0xb8: {  	s31 =	sshll.u32 s1, $0xD;
	s1 =	sshrl.u32 s1, $0x2  }
0xb9: {  	s3 =	sand.u32 $0x4000, s31;
	s1 =	sadd.s32 s1, s30  }
0xba: {  	s0 =	sor.u32 s3, s0;
	s1 =	sshll.u32 s1, $0x11  }
0xbb: {  	s0 =	sor.u32 s1, s0  }
0xbc: {  	s0 =	sadd.s32 $0x8F2B, s0  }
0xbd: {  	[sflag:s0] =	ssyncadd.remote.s32 $0x1  }
0xbe: {  	_ =	sfence.sel $0xFFFF  }
0xbf: {  	[dreg:$0x0] =	wrdreg $0xFFFFFFFF;
	(pc) =	sbr.abs _section_cstart, $3  }
0xc0: {  	[dreg:$0x1] =	wrdreg $0xFFFFFFFF  }
0xc1: {  	_ =	task.clear_ibuf [dreg:s6], $0x2FFFF;
	_ =	strace $0x9FFFFFFF  }
0xc2: {  	(tm) =	ssettm $0x7FFFFFFF  }
0xc3: {  	_ =	shalt  }
tec
execute0_lowered:
.L_overlay_start_1:
0x0: {  	(tag) =	ssettag $0x1  }
0x1: {  	s5 =	rddreg [dreg:$0x0]  }
0x2: {  	s2 =	rddreg [dreg:$0x1]  }
0x3: {  	s0 =	rddreg [dreg:$0x2]  }
0x4: {  	s3 =	simm.s32 $0x0;
	s1 =	stileid.u32;
	s4 =	srdreg.scid  }
0x5: {  	s16 =	simm.s32 $0x80;
	s17 =	simm.s32 $0x2800;
	s18 =	simm.s32 $0x6800  }
0x6: {  	s19 =	simm.s32 $0x1;
	s20 =	simm.s32 $0x2;
	s21 =	simm.s32 $0x1380  }
0x7: {  	s22 =	simm.s32 $0x2700;
	s23 =	simm.s32 $0x2780;
	s24 =	simm.s32 $0x0  }
0x8: {  	[smem:$0x7FF] =	sst s3;
	s6 =	smul.u32 $0x14000, s1;
	s7 =	sand.u32 $0x1, s4  }
0x9: {  	s4 =	sadd.s32 $0x16A00, s5;
	s9 =	sadd.s32 $0xCA00, s5;
	s10 =	sadd.s32 $0x2A00, s5  }
0xa: {  	s12 =	smul.u32 $0x50000, s1;
	s30 =	sshll.u32 s1, $0x6;
	_ =	strace $0x8000004A  }
0xb: {  	s8 =	smul.u32 $0x140000, s7;
	s28 =	sshll.u32 s7, $0x4;
	s7 =	ssub.s32 $0x2, s7  }
0xc: {  	s11 =	sshrl.u32 s6, $0x3;
	s13 =	sshrl.u32 s7, $0x1;
	s29 =	sshrl.u32 s12, $0x2  }
0xd: {  	s11 =	sadd.s32 s11, s5;
	s6 =	sadd.s32 s6, s8;
	s8 =	sor.u32 s1, s28  }
0xe: {  	s13 =	ssub.s32 s7, s13;
	s15 =	sadd.s32 s29, s2;
	s6 =	sshrl.u32 s6, $0x3  }
0xf: {  	s8 =	smul.u32 $0x2800, s8;
	s12 =	smax.u32 s13, $0x1;
	s13 =	sshrl.u32 s15, $0x3  }
0x10: {  	s15 =	simm.s32 $0x1400;
	s14 =	sadd.s32 s6, s5;
	s5 =	sadd.s32 $0x3EA00, s11  }
0x11: {  	s6 =	sor.u32 $0x1C03, s30;
	s8 =	sshrl.u32 s8, $0x3;
	s11 =	sadd.s32 $0x66A00, s14  }
0x12: {  	s14 =	simm.s32 $0x3;
	s31 =	sadd.s32 $0x280, s8;
	s7 =	sadd.s32 s9, s8  }
0x13: {  	s8 =	sadd.s32 s10, s8;
	s9 =	sadd.s32 s9, s31;
	s10 =	sadd.s32 s10, s31  }
.LBB2_1:
0x14: {  	[spmem:s13], [sflag:s6] =	dma.local [hbm:s5], $0x2800  }
0x15: {  	_ =	swait.ge [sflag:s14], $0x2800  }
0x16: {  	[sflag:s14] =	ssyncset.done $0x0  }
0x17: {  	[sflag:s14] =	ssyncadd.s32 $0xFFFFD800  }
0x18: {  	[bflag:$0x0] =	sbarrier.arrive $0xFFFF  }
0x19: {  	[tilespmem:s3], [sflag:$0x3] =	stream.linear.gather [hbm4b:s7+s3], $0x1400, $0x38;
	[tilespmem:$0x1E800] =	vst v63  }
0x1a: {  	_ =	swait.ge [sflag:s14], $0x1400  }
0x1b: {  	[sflag:s14] =	ssyncset.done $0x0  }
0x1c: {  	[sflag:s14] =	ssyncadd.s32 $0xFFFFEC00  }
0x1d: {  	[tilespmem:s15], [sflag:$0x3] =	stream.linear.gather [hbm4b:s8+s3], $0x1400, $0x38;
	[tilespmem:$0x1E800] =	vst v63  }
0x1e: {  	_ =	swait.ge [sflag:s14], $0x1400  }
0x1f: {  	[sflag:s14] =	ssyncset.done $0x0  }
0x20: {  	[sflag:s14] =	ssyncadd.s32 $0xFFFFEC00  }
0x21: {  	[tilespmem:s17], [sflag:$0x1] =	stream.indirect.gather [hbm4b:s4+s16], $0x80, s3, s16, $0xb8;
	[tilespmem:$0x1E800] =	vst v63  }
0x22: {  	s25 =	simm.s32 $0x80  }
0x23: {  	[tilespmem:s18], [sflag:$0x2] =	stream.indirect.gather [hbm4b:s4+s16], $0x80, s25, s16, $0xb8;
	[tilespmem:$0x1E800] =	vst v63  }
0x24: {  	_ =	swait.ge [sflag:s19], $0x4000  }
0x25: {  	[sflag:s19] =	ssyncset.done $0x0  }
0x26: {  	s29 =	simm.s32 $0x1400;
	[sflag:s19] =	ssyncadd.s32 $0xFFFFC000  }
0x27: {  	[spmem:s2] =	stream.indirect.scatter.add.f32 [tilespmem:s17], [sflag:$0x3], $0x80, s29, s16, $0xb8;
	[tilespmem:$0x1E800] =	vst v63  }
0x28: {  	_ =	swait.ge [sflag:s14], $0x4000  }
0x29: {  	[sflag:s14] =	ssyncset.done $0x0  }
0x2a: {  	s30 =	simm.s32 $0x100;
	[sflag:s14] =	ssyncadd.s32 $0xFFFFC000  }
0x2b: {  	[tilespmem:s17], [sflag:$0x1] =	stream.indirect.gather [hbm4b:s4+s16], $0x80, s30, s16, $0xb8;
	[tilespmem:$0x1E800] =	vst v63  }
0x2c: {  	_ =	swait.ge [sflag:s20], $0x4000  }
0x2d: {  	[sflag:s20] =	ssyncset.done $0x0  }
0x2e: {  	s31 =	simm.s32 $0x1480;
	[sflag:s20] =	ssyncadd.s32 $0xFFFFC000  }
0x2f: {  	[spmem:s2] =	stream.indirect.scatter.add.f32 [tilespmem:s18], [sflag:$0x3], $0x80, s31, s16, $0xb8;
	[tilespmem:$0x1E800] =	vst v63  }
0x30: {  	_ =	swait.ge [sflag:s14], $0x4000  }
0x31: {  	s26 =	simm.s32 $0x800;
	s25 =	simm.s32 $0x100;
	[sflag:s14] =	ssyncset.done $0x0  }
.LBB2_2:
0x32: {  	s28 =	sadd.s32 $0x80, s25  }
0x33: {  	[sflag:s14] =	ssyncadd.s32 $0xFFFFC000;
	s29 =	smov.u32 s26;
	s30 =	sadd.s32 $0x400, s26  }
0x34: {  	[tilespmem:s18], [sflag:$0x2] =	stream.indirect.gather [hbm4b:s4+s16], $0x80, s28, s16, $0xb8;
	[tilespmem:$0x1E800] =	vst v63  }
0x35: {  	p0 =	sne.s32 s26, $0x4800;
	_ =	swait.ge [sflag:s19], $0x4000  }
0x36: {  	[sflag:s19] =	ssyncset.done $0x0  }
0x37: {  	s26 =	sadd.s32 $0x1400, s25;
	[sflag:s19] =	ssyncadd.s32 $0xFFFFC000  }
0x38: {  	[spmem:s2] =	stream.indirect.scatter.add.f32 [tilespmem:s17], [sflag:$0x3], $0x80, s26, s16, $0xb8;
	[tilespmem:$0x1E800] =	vst v63  }
0x39: {  	_ =	swait.ge [sflag:s14], $0x4000  }
0x3a: {  	[sflag:s14] =	ssyncset.done $0x0  }
0x3b: {  	s26 =	sadd.s32 $0x100, s25;
	[sflag:s14] =	ssyncadd.s32 $0xFFFFC000  }
0x3c: {  	[tilespmem:s17], [sflag:$0x1] =	stream.indirect.gather [hbm4b:s4+s16], $0x80, s26, s16, $0xb8;
	[tilespmem:$0x1E800] =	vst v63  }
0x3d: {  	_ =	swait.ge [sflag:s20], $0x4000  }
.Ltmp0:
0x3e: {  	[sflag:s20] =	ssyncset.done $0x0;
	(pc) =	sbr.rel @p0 .LBB2_2-.Ltmp0, $4  }
0x3f: {  	s25 =	sadd.s32 $0x1480, s25;
	[sflag:s20] =	ssyncadd.s32 $0xFFFFC000  }
0x40: {  	[spmem:s2] =	stream.indirect.scatter.add.f32 [tilespmem:s18], [sflag:$0x3], $0x80, s25, s16, $0xb8;
	[tilespmem:$0x1E800] =	vst v63  }
0x41: {  	_ =	swait.ge [sflag:s14], $0x4000  }
0x42: {  	s26 =	smov.u32 s30;
	s25 =	sshra.s32 s29, $0x2;
	[sflag:s14] =	ssyncset.done $0x0  }
0x43: {  	s26 =	sadd.s32 $0x80, s25;
	[sflag:s14] =	ssyncadd.s32 $0xFFFFC000  }
0x44: {  	[tilespmem:s18], [sflag:$0x2] =	stream.indirect.gather [hbm4b:s4+s16], $0x80, s26, s16, $0xb8;
	[tilespmem:$0x1E800] =	vst v63  }
0x45: {  	_ =	swait.ge [sflag:s19], $0x4000  }
0x46: {  	[sflag:s19] =	ssyncset.done $0x0  }
0x47: {  	s29 =	sadd.s32 $0x1400, s25;
	[sflag:s19] =	ssyncadd.s32 $0xFFFFC000  }
0x48: {  	[spmem:s2] =	stream.indirect.scatter.add.f32 [tilespmem:s17], [sflag:$0x3], $0x80, s29, s16, $0xb8;
	[tilespmem:$0x1E800] =	vst v63  }
0x49: {  	_ =	swait.ge [sflag:s14], $0x4000  }
0x4a: {  	[sflag:s14] =	ssyncset.done $0x0  }
0x4b: {  	s30 =	sadd.s32 $0x100, s25;
	[sflag:s14] =	ssyncadd.s32 $0xFFFFC000  }
0x4c: {  	[tilespmem:s17], [sflag:$0x1] =	stream.indirect.gather [hbm4b:s4+s16], $0x80, s30, s16, $0xb8;
	[tilespmem:$0x1E800] =	vst v63  }
0x4d: {  	_ =	swait.ge [sflag:s20], $0x4000  }
0x4e: {  	[sflag:s20] =	ssyncset.done $0x0  }
0x4f: {  	s31 =	sadd.s32 $0x1480, s25;
	[sflag:s20] =	ssyncadd.s32 $0xFFFFC000  }
0x50: {  	[spmem:s2] =	stream.indirect.scatter.add.f32 [tilespmem:s18], [sflag:$0x3], $0x80, s31, s16, $0xb8;
	[tilespmem:$0x1E800] =	vst v63  }
0x51: {  	_ =	swait.ge [sflag:s14], $0x4000  }
0x52: {  	[sflag:s14] =	ssyncset.done $0x0  }
0x53: {  	[sflag:s14] =	ssyncadd.s32 $0xFFFFC000  }
0x54: {  	[tilespmem:s18], [sflag:$0x2] =	stream.indirect.gather [hbm4b:s4+s16], $0x80, s21, s16, $0xb8;
	[tilespmem:$0x1E800] =	vst v63  }
0x55: {  	_ =	swait.ge [sflag:s19], $0x4000  }
0x56: {  	[sflag:s19] =	ssyncset.done $0x0  }
0x57: {  	[sflag:s19] =	ssyncadd.s32 $0xFFFFC000  }
0x58: {  	[spmem:s2] =	stream.indirect.scatter.add.f32 [tilespmem:s17], [sflag:$0x3], $0x80, s22, s16, $0xb8;
	[tilespmem:$0x1E800] =	vst v63  }
0x59: {  	_ =	swait.ge [sflag:s14], $0x4000  }
0x5a: {  	[sflag:s14] =	ssyncset.done $0x0  }
0x5b: {  	[sflag:s14] =	ssyncadd.s32 $0xFFFFC000  }
0x5c: {  	_ =	swait.ge [sflag:s20], $0x4000  }
0x5d: {  	[sflag:s20] =	ssyncset.done $0x0  }
0x5e: {  	[sflag:s20] =	ssyncadd.s32 $0xFFFFC000  }
0x5f: {  	[spmem:s2] =	stream.indirect.scatter.add.f32 [tilespmem:s18], [sflag:$0x3], $0x80, s23, s16, $0xb8;
	[tilespmem:$0x1E800] =	vst v63  }
0x60: {  	_ =	swait.ge [sflag:s14], $0x4000  }
0x61: {  	[sflag:s14] =	ssyncset.done $0x0  }
0x62: {  	s26 =	simm.s32 $0x0;
	[sflag:s14] =	ssyncadd.s32 $0xFFFFC000  }
0x63: {  	[tilespmem:s26], [sflag:$0x3] =	stream.linear.gather [hbm4b:s9+s26], $0x1400, $0x38;
	[tilespmem:$0x1E800] =	vst v63  }
0x64: {  	_ =	swait.ge [sflag:s14], $0x1400  }
0x65: {  	[sflag:s14] =	ssyncset.done $0x0  }
0x66: {  	[sflag:s14] =	ssyncadd.s32 $0xFFFFEC00  }
0x67: {  	[tilespmem:s15], [sflag:$0x3] =	stream.linear.gather [hbm4b:s10+s26], $0x1400, $0x38;
	[tilespmem:$0x1E800] =	vst v63  }
0x68: {  	_ =	swait.ge [sflag:s14], $0x1400  }
0x69: {  	[sflag:s14] =	ssyncset.done $0x0  }
0x6a: {  	[sflag:s14] =	ssyncadd.s32 $0xFFFFEC00  }
0x6b: {  	[tilespmem:s17], [sflag:$0x1] =	stream.indirect.gather [hbm4b:s4+s16], $0x80, s26, s16, $0xb8;
	[tilespmem:$0x1E800] =	vst v63  }
0x6c: {  	s28 =	simm.s32 $0x80  }
0x6d: {  	[tilespmem:s18], [sflag:$0x2] =	stream.indirect.gather [hbm4b:s4+s16], $0x80, s28, s16, $0xb8;
	[tilespmem:$0x1E800] =	vst v63  }
0x6e: {  	_ =	swait.ge [sflag:s19], $0x4000  }
0x6f: {  	[sflag:s19] =	ssyncset.done $0x0  }
0x70: {  	s29 =	simm.s32 $0x1400;
	[sflag:s19] =	ssyncadd.s32 $0xFFFFC000  }
0x71: {  	[spmem:s2] =	stream.indirect.scatter.add.f32 [tilespmem:s17], [sflag:$0x3], $0x80, s29, s16, $0xb8;
	[tilespmem:$0x1E800] =	vst v63  }
0x72: {  	_ =	swait.ge [sflag:s14], $0x4000  }
0x73: {  	[sflag:s14] =	ssyncset.done $0x0  }
0x74: {  	s30 =	simm.s32 $0x100;
	[sflag:s14] =	ssyncadd.s32 $0xFFFFC000  }
0x75: {  	[tilespmem:s17], [sflag:$0x1] =	stream.indirect.gather [hbm4b:s4+s16], $0x80, s30, s16, $0xb8;
	[tilespmem:$0x1E800] =	vst v63  }
0x76: {  	_ =	swait.ge [sflag:s20], $0x4000  }
0x77: {  	[sflag:s20] =	ssyncset.done $0x0  }
0x78: {  	s31 =	simm.s32 $0x1480;
	[sflag:s20] =	ssyncadd.s32 $0xFFFFC000  }
0x79: {  	[spmem:s2] =	stream.indirect.scatter.add.f32 [tilespmem:s18], [sflag:$0x3], $0x80, s31, s16, $0xb8;
	[tilespmem:$0x1E800] =	vst v63  }
0x7a: {  	_ =	swait.ge [sflag:s14], $0x4000  }
0x7b: {  	s25 =	simm.s32 $0x100;
	s26 =	simm.s32 $0x800;
	[sflag:s14] =	ssyncset.done $0x0  }
.LBB2_4:
0x7c: {  	s28 =	sadd.s32 $0x80, s25  }
0x7d: {  	[sflag:s14] =	ssyncadd.s32 $0xFFFFC000;
	s29 =	smov.u32 s26;
	s30 =	sadd.s32 $0x400, s26  }
0x7e: {  	[tilespmem:s18], [sflag:$0x2] =	stream.indirect.gather [hbm4b:s4+s16], $0x80, s28, s16, $0xb8;
	[tilespmem:$0x1E800] =	vst v63  }
0x7f: {  	p0 =	sne.s32 s26, $0x4800;
	_ =	swait.ge [sflag:s19], $0x4000  }
0x80: {  	[sflag:s19] =	ssyncset.done $0x0  }
0x81: {  	s26 =	sadd.s32 $0x1400, s25;
	[sflag:s19] =	ssyncadd.s32 $0xFFFFC000  }
0x82: {  	[spmem:s2] =	stream.indirect.scatter.add.f32 [tilespmem:s17], [sflag:$0x3], $0x80, s26, s16, $0xb8;
	[tilespmem:$0x1E800] =	vst v63  }
0x83: {  	_ =	swait.ge [sflag:s14], $0x4000  }
0x84: {  	[sflag:s14] =	ssyncset.done $0x0  }
0x85: {  	s26 =	sadd.s32 $0x100, s25;
	[sflag:s14] =	ssyncadd.s32 $0xFFFFC000  }
0x86: {  	[tilespmem:s17], [sflag:$0x1] =	stream.indirect.gather [hbm4b:s4+s16], $0x80, s26, s16, $0xb8;
	[tilespmem:$0x1E800] =	vst v63  }
0x87: {  	_ =	swait.ge [sflag:s20], $0x4000  }
.Ltmp1:
0x88: {  	[sflag:s20] =	ssyncset.done $0x0;
	(pc) =	sbr.rel @p0 .LBB2_4-.Ltmp1, $4  }
0x89: {  	s25 =	sadd.s32 $0x1480, s25;
	[sflag:s20] =	ssyncadd.s32 $0xFFFFC000  }
0x8a: {  	[spmem:s2] =	stream.indirect.scatter.add.f32 [tilespmem:s18], [sflag:$0x3], $0x80, s25, s16, $0xb8;
	[tilespmem:$0x1E800] =	vst v63  }
0x8b: {  	_ =	swait.ge [sflag:s14], $0x4000  }
0x8c: {  	s26 =	smov.u32 s30;
	s25 =	sshra.s32 s29, $0x2;
	[sflag:s14] =	ssyncset.done $0x0  }
0x8d: {  	s26 =	sadd.s32 $0x80, s25;
	[sflag:s14] =	ssyncadd.s32 $0xFFFFC000  }
0x8e: {  	[tilespmem:s18], [sflag:$0x2] =	stream.indirect.gather [hbm4b:s4+s16], $0x80, s26, s16, $0xb8;
	[tilespmem:$0x1E800] =	vst v63  }
0x8f: {  	_ =	swait.ge [sflag:s19], $0x4000  }
0x90: {  	[sflag:s19] =	ssyncset.done $0x0  }
0x91: {  	s29 =	sadd.s32 $0x1400, s25;
	[sflag:s19] =	ssyncadd.s32 $0xFFFFC000  }
0x92: {  	[spmem:s2] =	stream.indirect.scatter.add.f32 [tilespmem:s17], [sflag:$0x3], $0x80, s29, s16, $0xb8;
	[tilespmem:$0x1E800] =	vst v63  }
0x93: {  	_ =	swait.ge [sflag:s14], $0x4000  }
0x94: {  	[sflag:s14] =	ssyncset.done $0x0  }
0x95: {  	s30 =	sadd.s32 $0x100, s25;
	[sflag:s14] =	ssyncadd.s32 $0xFFFFC000  }
0x96: {  	[tilespmem:s17], [sflag:$0x1] =	stream.indirect.gather [hbm4b:s4+s16], $0x80, s30, s16, $0xb8;
	[tilespmem:$0x1E800] =	vst v63  }
0x97: {  	_ =	swait.ge [sflag:s20], $0x4000  }
0x98: {  	[sflag:s20] =	ssyncset.done $0x0  }
0x99: {  	s31 =	sadd.s32 $0x1480, s25;
	[sflag:s20] =	ssyncadd.s32 $0xFFFFC000  }
0x9a: {  	[spmem:s2] =	stream.indirect.scatter.add.f32 [tilespmem:s18], [sflag:$0x3], $0x80, s31, s16, $0xb8;
	[tilespmem:$0x1E800] =	vst v63  }
0x9b: {  	_ =	swait.ge [sflag:s14], $0x4000  }
0x9c: {  	[sflag:s14] =	ssyncset.done $0x0  }
0x9d: {  	[sflag:s14] =	ssyncadd.s32 $0xFFFFC000  }
0x9e: {  	[tilespmem:s18], [sflag:$0x2] =	stream.indirect.gather [hbm4b:s4+s16], $0x80, s21, s16, $0xb8;
	[tilespmem:$0x1E800] =	vst v63  }
0x9f: {  	_ =	swait.ge [sflag:s19], $0x4000  }
0xa0: {  	[sflag:s19] =	ssyncset.done $0x0  }
0xa1: {  	[sflag:s19] =	ssyncadd.s32 $0xFFFFC000  }
0xa2: {  	[spmem:s2] =	stream.indirect.scatter.add.f32 [tilespmem:s17], [sflag:$0x3], $0x80, s22, s16, $0xb8;
	[tilespmem:$0x1E800] =	vst v63  }
0xa3: {  	_ =	swait.ge [sflag:s14], $0x4000  }
0xa4: {  	[sflag:s14] =	ssyncset.done $0x0  }
0xa5: {  	[sflag:s14] =	ssyncadd.s32 $0xFFFFC000  }
0xa6: {  	_ =	swait.ge [sflag:s20], $0x4000  }
0xa7: {  	[sflag:s20] =	ssyncset.done $0x0  }
0xa8: {  	[sflag:s20] =	ssyncadd.s32 $0xFFFFC000  }
0xa9: {  	[spmem:s2] =	stream.indirect.scatter.add.f32 [tilespmem:s18], [sflag:$0x3], $0x80, s23, s16, $0xb8;
	[tilespmem:$0x1E800] =	vst v63  }
0xaa: {  	_ =	swait.ge [sflag:s14], $0x4000  }
0xab: {  	s24 =	sadd.s32 $0x1, s24;
	[sflag:s14] =	ssyncset.done $0x0  }
0xac: {  	p0 =	sne.s32 s24, s12;
	[sflag:s14] =	ssyncadd.s32 $0xFFFFC000  }
.Ltmp2:
0xad: {  	[bflag:$0x0] =	sbarrier.arrive $0xFFFF;
	(pc) =	sbr.rel @p0 .LBB2_1-.Ltmp2, $4  }
0xae: {  	[hbm:s11], [sflag:s6] =	dma.local [spmem:s13], $0x2800  }
0xaf: {  	_ =	swait.ge [sflag:s14], $0x2800  }
0xb0: {  	[sflag:s14] =	ssyncset.done $0x0  }
0xb1: {  	[sflag:s14] =	ssyncadd.s32 $0xFFFFD800  }
0xb2: {  	_ =	sfence.sel $0x180000  }
0xb3: {  	[bflag:$0x0] =	sbarrier.arrive $0xFFFF  }
0xb4: {  	p0 =	sne.s32 s1, $0x0;
	_ =	strace $0x9000004A  }
0xb5: {  	s0 =	sadd.s32 @!p0 $0x100000, s0;
	[bflag:$0x2] =	sbarrier.arrive $0xFFFF  }
0xb6: {  	[sflag:s0] =	ssyncadd.tile.s32 @!p0 $0x1;
	_ =	shalt  }
.Lfunc_end2:
_tile_overlayer_lowered:
.L_overlay_start_2:
0xb7: {  	(tag) =	ssettag $0x2  }
0xb8: {  	s0 =	rddreg [dreg:$0x0];
	s2 =	stileid.u32  }
0xb9: {  	s1 =	rddreg [dreg:$0x1];
	p0 =	sne.s32 s2, $0x0  }
0xba: {  	s3 =	rddreg [dreg:$0x2];
	[bflag:$0x3] =	sbarrier.arrive $0xFFFF;
	s2 =	simm.s32 @!p0 $0x1C03  }
0xbb: {  	[timem:s3], [sflag:s2] =	dma.local @!p0 [hbm:s0], s1  }
0xbc: {  	s0 =	simm.s32 @!p0 $0x3  }
0xbd: {  	_ =	swait.ge @!p0 [sflag:s0], s1  }
0xbe: {  	s1 =	ssub.s32 @!p0 $0x0, s1;
	[sflag:s0] =	ssyncset.done @!p0 $0x0  }
0xbf: {  	[sflag:s0] =	ssyncadd.s32 @!p0 s1  }
0xc0: {  	[bflag:$0x3] =	sbarrier.arrive $0xFFFF  }
0xc1: {  	_ =	shalt  }

// kernel: kernel.14.cloned.1.call-start
scs
__scs_entry_jumppad:
0x0: {  	(pc) =	sbr.rel $0x88, $3  }
0x1: {  	(tag) =	ssettag $0x0;
	lr =	simm.s32 $0x1  }
0x2: {  	[smem:$0x3F99] =	sst lr;
	_ =	strace $0xD0000000  }
0x3: {  	_ = 	snop  }
0x4: {  	_ = 	snop  }
0x5: {  	_ = 	snop  }
0x6: {  	_ = 	snop  }
0x7: {  	_ = 	snop  }
__scs_overlays_trampoline_lowered:
0x8: {  	[smem:$0x3FA8] =	sst s0  }
0x9: {  	[smem:$0x3FA9] =	sst s1  }
0xa: {  	[smem:$0x3FAA] =	sst s2  }
0xb: {  	[smem:$0x3FAB] =	sst s3  }
0xc: {  	[smem:$0x3FAC] =	sst s4  }
0xd: {  	[smem:$0x3FAD] =	sst s5  }
0xe: {  	[smem:$0x3FAE] =	sst s6  }
0xf: {  	[smem:$0x3FAF] =	sst s7  }
0x10: {  	[smem:$0x3FB0] =	sst s8  }
0x11: {  	[smem:$0x3FB1] =	sst s9;
	s0 =	simm.s32 @!p0 $0x0  }
0x12: {  	s1 =	sld [smem:$0x3F97];
	s0 =	simm.s32 @p0 $0x1  }
0x13: {  	[smem:$0x3FB2] =	sst s0;
	s0 =	simm.s32 @!p1 $0x0  }
0x14: {  	s2 =	sld [smem:$0x3F96];
	s0 =	simm.s32 @p1 $0x1  }
0x15: {  	[smem:$0x3FB3] =	sst s0;
	s0 =	simm.s32 @!p2 $0x0  }
0x16: {  	s3 =	sld [smem:$0x3FDB];
	s0 =	simm.s32 @p2 $0x1  }
0x17: {  	s4 =	simm.s32 $0x1BF5;
	[smem:$0x3FB5] =	sst s0  }
0x18: {  	s0 =	sld [smem:$0x3F98];
	_ =	swait.ge [sflag:s4], $0x0  }
0x19: {  	s7 =	sld [smem:$0x3F99]  }
0x1a: {  	s8 =	sadd.s32 $0xFFFFE003, lr  }
0x1b: {  	s9 =	sadd.s32 $0xFFFFFEF7, lr;
	s5 =	simm.s32 $0xFFFFFFFF;
	p2 =	slt.u32 s8, $0xFFFFF086  }
0x1c: {  	p1 =	slt.u32 s9, $0xF7A;
	s5 =	simm.s32 @!p2 $0x0  }
0x1d: {  	s5 =	simm.s32 @p1 $0x1;
	p0 =	seq.s32 s7, s2  }
0x1e: {  	s7 =	smul.u32 @!p0 $0xF7A, s2;
	p2 =	seq.s32 @!p0 s5, $0x0  }
0x1f: {  	s9 =	smul.u32 $0xF7A, s1;
	s8 =	simm.s32 @!p0 $0x1BF5;
	p2 =	por !p2, p0  }
0x20: {  	[sflag:s8] =	ssyncset.s32 @!p0 $0xFFFFF086;
	s6 =	sadd.s32 @!p0 s3, s7;
	s7 =	simm.s32 @!p0 $0x108  }
0x21: {  	s3 =	sadd.s32 s3, s9;
	s6 =	sadd.s32 @!p0 $0x88, s6;
	s7 =	simm.s32 @p2 $0x1082  }
0x22: {  	[simem:s7], [sflag:s8] =	dma.local @!p0 [hbm:s6], $0xF7A  }
0x23: {  	s9 =	sor.u32 $0xD0000000, s2;
	s6 =	simm.s32 $0x108;
	_ =	swait.ge @!p0 [sflag:s8], $0x0  }
0x24: {  	s3 =	sadd.s32 $0x88, s3;
	s6 =	simm.s32 @!p1 $0x1082;
	[sflag:s4] =	ssyncset.s32 $0xFFFFF086  }
0x25: {  	[simem:s6], [sflag:s4] =	dma.local [hbm:s3], $0xF7A  }
0x26: {  	[smem:$0x3F99] =	sst s1;
	(tag) =	ssettag s2;
	_ =	strace s9  }
0x27: {  	s1 =	sld [smem:$0x3FA9]  }
0x28: {  	s2 =	sld [smem:$0x3FAA]  }
0x29: {  	s4 =	sld [smem:$0x3FAC]  }
0x2a: {  	p0 =	seq.s32 s5, $0x0;
	s5 =	sld [smem:$0x3FAD]  }
0x2b: {  	s6 =	sld [smem:$0x3FAE]  }
0x2c: {  	s7 =	sld [smem:$0x3FAF]  }
0x2d: {  	s3 =	simm.s32 $0x108;
	s8 =	sld [smem:$0x3FB0]  }
0x2e: {  	s3 =	simm.s32 @!p0 $0x1082;
	s9 =	sld [smem:$0x3FB1]  }
0x2f: {  	lr =	sadd.s32 s0, s3;
	s0 =	sld [smem:$0x3FA8]  }
0x30: {  	s3 =	sld [smem:$0x3FAB]  }
0x31: {  	[smem:$0x3FB4] =	sst s10  }
0x32: {  	s10 =	sld [smem:$0x3FB2];
	_ =	sdelay $0x3  }
0x33: {  	p0 =	seq.s32 s10, $0x1;
	s10 =	sld [smem:$0x3FB4];
	_ =	sdelay $0x3  }
0x34: {  	[smem:$0x3FB4] =	sst s10  }
0x35: {  	s10 =	sld [smem:$0x3FB3];
	_ =	sdelay $0x3  }
0x36: {  	p1 =	seq.s32 s10, $0x1;
	s10 =	sld [smem:$0x3FB4];
	_ =	sdelay $0x3  }
0x37: {  	[smem:$0x3FB4] =	sst s10  }
0x38: {  	s10 =	sld [smem:$0x3FB5]  }
0x39: {  	_ = 	snop;
	(pc) =	sbr.ind lr, $3  }
0x3a: {  	_ = 	snop  }
0x3b: {  	_ = 	snop  }
0x3c: {  	p2 =	seq.s32 s10, $0x1;
	s10 =	sld [smem:$0x3FB4]  }
0x3d: {  	_ =	shalt  }
0x3e: {  	_ =	shalt  }
0x3f: {  	_ =	shalt  }
0x40: {  	_ =	shalt  }
0x41: {  	_ =	shalt  }
0x42: {  	_ =	shalt  }
0x43: {  	_ =	shalt  }
0x44: {  	_ =	shalt  }
0x45: {  	_ =	shalt  }
0x46: {  	_ =	shalt  }
0x47: {  	_ =	shalt  }
0x48: {  	_ =	shalt  }
0x49: {  	_ =	shalt  }
0x4a: {  	_ =	shalt  }
0x4b: {  	_ =	shalt  }
0x4c: {  	_ =	shalt  }
0x4d: {  	_ =	shalt  }
0x4e: {  	_ =	shalt  }
0x4f: {  	_ =	shalt  }
0x50: {  	_ =	shalt  }
0x51: {  	_ =	shalt  }
0x52: {  	_ =	shalt  }
0x53: {  	_ =	shalt  }
0x54: {  	_ =	shalt  }
0x55: {  	_ =	shalt  }
0x56: {  	_ =	shalt  }
0x57: {  	_ =	shalt  }
0x58: {  	_ =	shalt  }
0x59: {  	_ =	shalt  }
0x5a: {  	_ =	shalt  }
0x5b: {  	_ =	shalt  }
0x5c: {  	_ =	shalt  }
0x5d: {  	_ =	shalt  }
0x5e: {  	_ =	shalt  }
0x5f: {  	_ =	shalt  }
0x60: {  	_ =	shalt  }
0x61: {  	_ =	shalt  }
0x62: {  	_ =	shalt  }
0x63: {  	_ =	shalt  }
0x64: {  	_ =	shalt  }
0x65: {  	_ =	shalt  }
0x66: {  	_ =	shalt  }
0x67: {  	_ =	shalt  }
0x68: {  	_ =	shalt  }
0x69: {  	_ =	shalt  }
0x6a: {  	_ =	shalt  }
0x6b: {  	_ =	shalt  }
0x6c: {  	_ =	shalt  }
0x6d: {  	_ =	shalt  }
0x6e: {  	_ =	shalt  }
0x6f: {  	_ =	shalt  }
0x70: {  	_ =	shalt  }
0x71: {  	_ =	shalt  }
0x72: {  	_ =	shalt  }
0x73: {  	_ =	shalt  }
0x74: {  	_ =	shalt  }
0x75: {  	_ =	shalt  }
0x76: {  	_ =	shalt  }
0x77: {  	_ =	shalt  }
0x78: {  	_ =	shalt  }
0x79: {  	_ =	shalt  }
0x7a: {  	_ =	shalt  }
0x7b: {  	_ =	shalt  }
0x7c: {  	_ =	shalt  }
0x7d: {  	_ =	shalt  }
0x7e: {  	_ =	shalt  }
0x7f: {  	_ =	shalt  }
0x80: {  	_ =	shalt  }
0x81: {  	_ =	shalt  }
0x82: {  	_ =	shalt  }
0x83: {  	_ =	shalt  }
0x84: {  	_ =	shalt  }
0x85: {  	_ =	shalt  }
0x86: {  	_ =	shalt  }
0x87: {  	_ =	shalt  }
.Lfunc_end0:
.L_simem_size_0:
called_computation.2_lowered:
.L_overlay_start_0:
0x88: {  	s2 =	sld [smem:$0x3FD9]  }
0x89: {  	s3 =	sld [smem:$0x3FFE];
	_ =	sdelay $0x1  }
0x8a: {  	s1 =	srdreg.scid  }
0x8b: {  	s0 =	sand.u32 $0x1, s1  }
0x8c: {  	s16 =	sshll.u32 s0, $0xA;
	s2 =	sadd.s32 s3, s2  }
0x8d: {  	s2 =	sadd.s32 s2, s16  }
0x8e: {  	[smem:$0x3FC0] =	sst s2  }
0x8f: {  	_ = 	snop  }
0x90: {  	(tm) =	ssettm $0x1  }
0x91: {  	s17 =	sld [smem:$0x3FFB];
	_ =	sdelay $0x3  }
0x92: {  	_ =	strace s17  }
0x93: {  	s2 =	sld [smem:$0x3FFC];
	_ =	sdelay $0x3  }
0x94: {  	_ =	strace s2  }
0x95: {  	s2 =	sld [smem:$0x3FFD];
	_ =	sdelay $0x3  }
0x96: {  	_ =	strace s2  }
0x97: {  	_ =	strace $0x8FFFFFFF  }
0x98: {  	s18 =	sld [smem:$0x3FDB];
	_ =	sdelay $0x1  }
0x99: {  	s19 =	simm.s32 $_scs_section_size  }
0x9a: {  	s4 =	simm.s32 $_size__tile_overlayer_lowered;
	s5 =	simm.s32 $_tile_overlayer_lowered  }
0x9b: {  	s22 =	simm.s32 $0x1BFF;
	s21 =	sshll.u32 s5, $0x1;
	s2 =	sadd.s32 s19, s18  }
0x9c: {  	s6 =	simm.s32 $0x0;
	s20 =	sshll.u32 s4, $0x1;
	s4 =	sadd.s32 s21, s2  }
0x9d: {  	[timem:s6], [sflag:s22] =	dma.local [hbm:s4], s20  }
0x9e: {  	_ =	swait.ge [sflag:s22], s20  }
0x9f: {  	s3 =	ssub.s32 $0x0, s20;
	[sflag:s22] =	ssyncset.done $0x0  }
0xa0: {  	[sflag:s22] =	ssyncadd.s32 s3;
	_ =	sdelay $0x1  }
0xa1: {  	s23 =	simm.s32 $0x1B8B  }
0xa2: {  	_ =	swait.ge [sflag:s23], $0x1  }
0xa3: {  	[sflag:s23] =	ssyncset.done $0x0  }
0xa4: {  	s25 =	simm.s32 $0x1B8E;
	s24 =	sld [smem:$0x3FFE];
	[sflag:s23] =	ssyncadd.s32 $0xFFFFFFFF  }
0xa5: {  	s26 =	simm.s32 $execute0_lowered;
	[smem:$0x3FD2] =	sst s25  }
0xa6: {  	s4 =	sshll.u32 s26, $0x1;
	_ =	strace $0x8000004C;
	[dreg:$0x1] =	wrdreg $0xFFFFFFFF  }
0xa7: {  	s28 =	simm.s32 $_size_execute0_lowered;
	s2 =	sadd.s32 s2, s4;
	[dreg:$0x0] =	wrdreg $0x0  }
0xa8: {  	s4 =	sshll.u32 s28, $0x1;
	[dreg:$0x2] =	wrdreg s2  }
0xa9: {  	[dreg:$0x3] =	wrdreg s4  }
0xaa: {  	[dreg:$0x4] =	wrdreg $0xC0  }
0xab: {  	_ =	task [dreg:s6], $0x5FFFF  }
0xac: {  	[dreg:$0x1] =	wrdreg $0xFFFFFFFF  }
0xad: {  	[dreg:$0x0] =	wrdreg $0x60  }
0xae: {  	[dreg:$0x2] =	wrdreg s24  }
0xaf: {  	[dreg:$0x3] =	wrdreg $0xA8000  }
0xb0: {  	[dreg:$0x4] =	wrdreg $0x9  }
0xb1: {  	_ =	task.clear_ibuf [dreg:s6], $0x5FFFF;
	_ =	strace $0x9000004C  }
0xb2: {  	s29 =	simm.s32 $0x9;
	_ =	strace $0x8000004E  }
0xb3: {  	_ =	swait.ge [sflag:s29], $0x1  }
0xb4: {  	[sflag:s29] =	ssyncadd.s32 $0xFFFFFFFF  }
0xb5: {  	_ =	strace $0x9000004E  }
0xb6: {  	_ =	sfence  }
0xb7: {  	s30 =	sld [smem:$0x0];
	_ =	sdelay $0x2  }
0xb8: {  	s31 =	sshll.u32 s1, $0xD;
	s1 =	sshrl.u32 s1, $0x2  }
0xb9: {  	s3 =	sand.u32 $0x4000, s31;
	s1 =	sadd.s32 s1, s30  }
0xba: {  	s0 =	sor.u32 s3, s0;
	s1 =	sshll.u32 s1, $0x11  }
0xbb: {  	s0 =	sor.u32 s1, s0  }
0xbc: {  	s0 =	sadd.s32 $0x8F2B, s0  }
0xbd: {  	[sflag:s0] =	ssyncadd.remote.s32 $0x1  }
0xbe: {  	_ =	sfence.sel $0xFFFF  }
0xbf: {  	[dreg:$0x0] =	wrdreg $0xFFFFFFFF;
	(pc) =	sbr.abs _section_cstart, $3  }
0xc0: {  	[dreg:$0x1] =	wrdreg $0xFFFFFFFF  }
0xc1: {  	_ =	task.clear_ibuf [dreg:s6], $0x2FFFF;
	_ =	strace $0x9FFFFFFF  }
0xc2: {  	(tm) =	ssettm $0x7FFFFFFF  }
0xc3: {  	_ =	shalt  }
tec
execute0_lowered:
.L_overlay_start_1:
0x0: {  	(tag) =	ssettag $0x1  }
0x1: {  	s5 =	rddreg [dreg:$0x0]  }
0x2: {  	s2 =	rddreg [dreg:$0x1]  }
0x3: {  	s0 =	rddreg [dreg:$0x2]  }
0x4: {  	s3 =	simm.s32 $0x0;
	s1 =	stileid.u32;
	s4 =	srdreg.scid  }
0x5: {  	s16 =	simm.s32 $0x80;
	s17 =	simm.s32 $0x2800;
	s18 =	simm.s32 $0x6800  }
0x6: {  	s19 =	simm.s32 $0x1;
	s20 =	simm.s32 $0x2;
	s21 =	simm.s32 $0x1380  }
0x7: {  	s22 =	simm.s32 $0x2700;
	s23 =	simm.s32 $0x2780;
	s24 =	simm.s32 $0x0  }
0x8: {  	[smem:$0x7FF] =	sst s3;
	s6 =	smul.u32 $0x14000, s1;
	s7 =	sand.u32 $0x1, s4  }
0x9: {  	s4 =	sadd.s32 $0x16A00, s5;
	s9 =	sadd.s32 $0xCA00, s5;
	s10 =	sadd.s32 $0x2A00, s5  }
0xa: {  	s12 =	smul.u32 $0x50000, s1;
	s30 =	sshll.u32 s1, $0x6;
	_ =	strace $0x8000004D  }
0xb: {  	s8 =	smul.u32 $0x140000, s7;
	s28 =	sshll.u32 s7, $0x4;
	s7 =	ssub.s32 $0x2, s7  }
0xc: {  	s11 =	sshrl.u32 s6, $0x3;
	s13 =	sshrl.u32 s7, $0x1;
	s29 =	sshrl.u32 s12, $0x2  }
0xd: {  	s11 =	sadd.s32 s11, s5;
	s6 =	sadd.s32 s6, s8;
	s8 =	sor.u32 s1, s28  }
0xe: {  	s13 =	ssub.s32 s7, s13;
	s15 =	sadd.s32 s29, s2;
	s6 =	sshrl.u32 s6, $0x3  }
0xf: {  	s8 =	smul.u32 $0x2800, s8;
	s12 =	smax.u32 s13, $0x1;
	s13 =	sshrl.u32 s15, $0x3  }
0x10: {  	s15 =	simm.s32 $0x1400;
	s14 =	sadd.s32 s6, s5;
	s5 =	sadd.s32 $0x3EA00, s11  }
0x11: {  	s6 =	sor.u32 $0x1C03, s30;
	s8 =	sshrl.u32 s8, $0x3;
	s11 =	sadd.s32 $0x66A00, s14  }
0x12: {  	s14 =	simm.s32 $0x3;
	s31 =	sadd.s32 $0x280, s8;
	s7 =	sadd.s32 s9, s8  }
0x13: {  	s8 =	sadd.s32 s10, s8;
	s9 =	sadd.s32 s9, s31;
	s10 =	sadd.s32 s10, s31  }
.LBB2_1:
0x14: {  	[spmem:s13], [sflag:s6] =	dma.local [hbm:s5], $0x2800  }
0x15: {  	_ =	swait.ge [sflag:s14], $0x2800  }
0x16: {  	[sflag:s14] =	ssyncset.done $0x0  }
0x17: {  	[sflag:s14] =	ssyncadd.s32 $0xFFFFD800  }
0x18: {  	[bflag:$0x0] =	sbarrier.arrive $0xFFFF  }
0x19: {  	[tilespmem:s3], [sflag:$0x3] =	stream.linear.gather [hbm4b:s7+s3], $0x1400, $0x38;
	[tilespmem:$0x1E800] =	vst v63  }
0x1a: {  	_ =	swait.ge [sflag:s14], $0x1400  }
0x1b: {  	[sflag:s14] =	ssyncset.done $0x0  }
0x1c: {  	[sflag:s14] =	ssyncadd.s32 $0xFFFFEC00  }
0x1d: {  	[tilespmem:s15], [sflag:$0x3] =	stream.linear.gather [hbm4b:s8+s3], $0x1400, $0x38;
	[tilespmem:$0x1E800] =	vst v63  }
0x1e: {  	_ =	swait.ge [sflag:s14], $0x1400  }
0x1f: {  	[sflag:s14] =	ssyncset.done $0x0  }
0x20: {  	[sflag:s14] =	ssyncadd.s32 $0xFFFFEC00  }
0x21: {  	[tilespmem:s17], [sflag:$0x1] =	stream.indirect.gather [hbm4b:s4+s16], $0x80, s3, s16, $0xb8;
	[tilespmem:$0x1E800] =	vst v63  }
0x22: {  	s25 =	simm.s32 $0x80  }
0x23: {  	[tilespmem:s18], [sflag:$0x2] =	stream.indirect.gather [hbm4b:s4+s16], $0x80, s25, s16, $0xb8;
	[tilespmem:$0x1E800] =	vst v63  }
0x24: {  	_ =	swait.ge [sflag:s19], $0x4000  }
0x25: {  	[sflag:s19] =	ssyncset.done $0x0  }
0x26: {  	s29 =	simm.s32 $0x1400;
	[sflag:s19] =	ssyncadd.s32 $0xFFFFC000  }
0x27: {  	[spmem:s2] =	stream.indirect.scatter.add.f32 [tilespmem:s17], [sflag:$0x3], $0x80, s29, s16, $0xb8;
	[tilespmem:$0x1E800] =	vst v63  }
0x28: {  	_ =	swait.ge [sflag:s14], $0x4000  }
0x29: {  	[sflag:s14] =	ssyncset.done $0x0  }
0x2a: {  	s30 =	simm.s32 $0x100;
	[sflag:s14] =	ssyncadd.s32 $0xFFFFC000  }
0x2b: {  	[tilespmem:s17], [sflag:$0x1] =	stream.indirect.gather [hbm4b:s4+s16], $0x80, s30, s16, $0xb8;
	[tilespmem:$0x1E800] =	vst v63  }
0x2c: {  	_ =	swait.ge [sflag:s20], $0x4000  }
0x2d: {  	[sflag:s20] =	ssyncset.done $0x0  }
0x2e: {  	s31 =	simm.s32 $0x1480;
	[sflag:s20] =	ssyncadd.s32 $0xFFFFC000  }
0x2f: {  	[spmem:s2] =	stream.indirect.scatter.add.f32 [tilespmem:s18], [sflag:$0x3], $0x80, s31, s16, $0xb8;
	[tilespmem:$0x1E800] =	vst v63  }
0x30: {  	_ =	swait.ge [sflag:s14], $0x4000  }
0x31: {  	s26 =	simm.s32 $0x800;
	s25 =	simm.s32 $0x100;
	[sflag:s14] =	ssyncset.done $0x0  }
.LBB2_2:
0x32: {  	s28 =	sadd.s32 $0x80, s25  }
0x33: {  	[sflag:s14] =	ssyncadd.s32 $0xFFFFC000;
	s29 =	smov.u32 s26;
	s30 =	sadd.s32 $0x400, s26  }
0x34: {  	[tilespmem:s18], [sflag:$0x2] =	stream.indirect.gather [hbm4b:s4+s16], $0x80, s28, s16, $0xb8;
	[tilespmem:$0x1E800] =	vst v63  }
0x35: {  	p0 =	sne.s32 s26, $0x4800;
	_ =	swait.ge [sflag:s19], $0x4000  }
0x36: {  	[sflag:s19] =	ssyncset.done $0x0  }
0x37: {  	s26 =	sadd.s32 $0x1400, s25;
	[sflag:s19] =	ssyncadd.s32 $0xFFFFC000  }
0x38: {  	[spmem:s2] =	stream.indirect.scatter.add.f32 [tilespmem:s17], [sflag:$0x3], $0x80, s26, s16, $0xb8;
	[tilespmem:$0x1E800] =	vst v63  }
0x39: {  	_ =	swait.ge [sflag:s14], $0x4000  }
0x3a: {  	[sflag:s14] =	ssyncset.done $0x0  }
0x3b: {  	s26 =	sadd.s32 $0x100, s25;
	[sflag:s14] =	ssyncadd.s32 $0xFFFFC000  }
0x3c: {  	[tilespmem:s17], [sflag:$0x1] =	stream.indirect.gather [hbm4b:s4+s16], $0x80, s26, s16, $0xb8;
	[tilespmem:$0x1E800] =	vst v63  }
0x3d: {  	_ =	swait.ge [sflag:s20], $0x4000  }
.Ltmp0:
0x3e: {  	[sflag:s20] =	ssyncset.done $0x0;
	(pc) =	sbr.rel @p0 .LBB2_2-.Ltmp0, $4  }
0x3f: {  	s25 =	sadd.s32 $0x1480, s25;
	[sflag:s20] =	ssyncadd.s32 $0xFFFFC000  }
0x40: {  	[spmem:s2] =	stream.indirect.scatter.add.f32 [tilespmem:s18], [sflag:$0x3], $0x80, s25, s16, $0xb8;
	[tilespmem:$0x1E800] =	vst v63  }
0x41: {  	_ =	swait.ge [sflag:s14], $0x4000  }
0x42: {  	s26 =	smov.u32 s30;
	s25 =	sshra.s32 s29, $0x2;
	[sflag:s14] =	ssyncset.done $0x0  }
0x43: {  	s26 =	sadd.s32 $0x80, s25;
	[sflag:s14] =	ssyncadd.s32 $0xFFFFC000  }
0x44: {  	[tilespmem:s18], [sflag:$0x2] =	stream.indirect.gather [hbm4b:s4+s16], $0x80, s26, s16, $0xb8;
	[tilespmem:$0x1E800] =	vst v63  }
0x45: {  	_ =	swait.ge [sflag:s19], $0x4000  }
0x46: {  	[sflag:s19] =	ssyncset.done $0x0  }
0x47: {  	s29 =	sadd.s32 $0x1400, s25;
	[sflag:s19] =	ssyncadd.s32 $0xFFFFC000  }
0x48: {  	[spmem:s2] =	stream.indirect.scatter.add.f32 [tilespmem:s17], [sflag:$0x3], $0x80, s29, s16, $0xb8;
	[tilespmem:$0x1E800] =	vst v63  }
0x49: {  	_ =	swait.ge [sflag:s14], $0x4000  }
0x4a: {  	[sflag:s14] =	ssyncset.done $0x0  }
0x4b: {  	s30 =	sadd.s32 $0x100, s25;
	[sflag:s14] =	ssyncadd.s32 $0xFFFFC000  }
0x4c: {  	[tilespmem:s17], [sflag:$0x1] =	stream.indirect.gather [hbm4b:s4+s16], $0x80, s30, s16, $0xb8;
	[tilespmem:$0x1E800] =	vst v63  }
0x4d: {  	_ =	swait.ge [sflag:s20], $0x4000  }
0x4e: {  	[sflag:s20] =	ssyncset.done $0x0  }
0x4f: {  	s31 =	sadd.s32 $0x1480, s25;
	[sflag:s20] =	ssyncadd.s32 $0xFFFFC000  }
0x50: {  	[spmem:s2] =	stream.indirect.scatter.add.f32 [tilespmem:s18], [sflag:$0x3], $0x80, s31, s16, $0xb8;
	[tilespmem:$0x1E800] =	vst v63  }
0x51: {  	_ =	swait.ge [sflag:s14], $0x4000  }
0x52: {  	[sflag:s14] =	ssyncset.done $0x0  }
0x53: {  	[sflag:s14] =	ssyncadd.s32 $0xFFFFC000  }
0x54: {  	[tilespmem:s18], [sflag:$0x2] =	stream.indirect.gather [hbm4b:s4+s16], $0x80, s21, s16, $0xb8;
	[tilespmem:$0x1E800] =	vst v63  }
0x55: {  	_ =	swait.ge [sflag:s19], $0x4000  }
0x56: {  	[sflag:s19] =	ssyncset.done $0x0  }
0x57: {  	[sflag:s19] =	ssyncadd.s32 $0xFFFFC000  }
0x58: {  	[spmem:s2] =	stream.indirect.scatter.add.f32 [tilespmem:s17], [sflag:$0x3], $0x80, s22, s16, $0xb8;
	[tilespmem:$0x1E800] =	vst v63  }
0x59: {  	_ =	swait.ge [sflag:s14], $0x4000  }
0x5a: {  	[sflag:s14] =	ssyncset.done $0x0  }
0x5b: {  	[sflag:s14] =	ssyncadd.s32 $0xFFFFC000  }
0x5c: {  	_ =	swait.ge [sflag:s20], $0x4000  }
0x5d: {  	[sflag:s20] =	ssyncset.done $0x0  }
0x5e: {  	[sflag:s20] =	ssyncadd.s32 $0xFFFFC000  }
0x5f: {  	[spmem:s2] =	stream.indirect.scatter.add.f32 [tilespmem:s18], [sflag:$0x3], $0x80, s23, s16, $0xb8;
	[tilespmem:$0x1E800] =	vst v63  }
0x60: {  	_ =	swait.ge [sflag:s14], $0x4000  }
0x61: {  	[sflag:s14] =	ssyncset.done $0x0  }
0x62: {  	s26 =	simm.s32 $0x0;
	[sflag:s14] =	ssyncadd.s32 $0xFFFFC000  }
0x63: {  	[tilespmem:s26], [sflag:$0x3] =	stream.linear.gather [hbm4b:s9+s26], $0x1400, $0x38;
	[tilespmem:$0x1E800] =	vst v63  }
0x64: {  	_ =	swait.ge [sflag:s14], $0x1400  }
0x65: {  	[sflag:s14] =	ssyncset.done $0x0  }
0x66: {  	[sflag:s14] =	ssyncadd.s32 $0xFFFFEC00  }
0x67: {  	[tilespmem:s15], [sflag:$0x3] =	stream.linear.gather [hbm4b:s10+s26], $0x1400, $0x38;
	[tilespmem:$0x1E800] =	vst v63  }
0x68: {  	_ =	swait.ge [sflag:s14], $0x1400  }
0x69: {  	[sflag:s14] =	ssyncset.done $0x0  }
0x6a: {  	[sflag:s14] =	ssyncadd.s32 $0xFFFFEC00  }
0x6b: {  	[tilespmem:s17], [sflag:$0x1] =	stream.indirect.gather [hbm4b:s4+s16], $0x80, s26, s16, $0xb8;
	[tilespmem:$0x1E800] =	vst v63  }
0x6c: {  	s28 =	simm.s32 $0x80  }
0x6d: {  	[tilespmem:s18], [sflag:$0x2] =	stream.indirect.gather [hbm4b:s4+s16], $0x80, s28, s16, $0xb8;
	[tilespmem:$0x1E800] =	vst v63  }
0x6e: {  	_ =	swait.ge [sflag:s19], $0x4000  }
0x6f: {  	[sflag:s19] =	ssyncset.done $0x0  }
0x70: {  	s29 =	simm.s32 $0x1400;
	[sflag:s19] =	ssyncadd.s32 $0xFFFFC000  }
0x71: {  	[spmem:s2] =	stream.indirect.scatter.add.f32 [tilespmem:s17], [sflag:$0x3], $0x80, s29, s16, $0xb8;
	[tilespmem:$0x1E800] =	vst v63  }
0x72: {  	_ =	swait.ge [sflag:s14], $0x4000  }
0x73: {  	[sflag:s14] =	ssyncset.done $0x0  }
0x74: {  	s30 =	simm.s32 $0x100;
	[sflag:s14] =	ssyncadd.s32 $0xFFFFC000  }
0x75: {  	[tilespmem:s17], [sflag:$0x1] =	stream.indirect.gather [hbm4b:s4+s16], $0x80, s30, s16, $0xb8;
	[tilespmem:$0x1E800] =	vst v63  }
0x76: {  	_ =	swait.ge [sflag:s20], $0x4000  }
0x77: {  	[sflag:s20] =	ssyncset.done $0x0  }
0x78: {  	s31 =	simm.s32 $0x1480;
	[sflag:s20] =	ssyncadd.s32 $0xFFFFC000  }
0x79: {  	[spmem:s2] =	stream.indirect.scatter.add.f32 [tilespmem:s18], [sflag:$0x3], $0x80, s31, s16, $0xb8;
	[tilespmem:$0x1E800] =	vst v63  }
0x7a: {  	_ =	swait.ge [sflag:s14], $0x4000  }
0x7b: {  	s25 =	simm.s32 $0x100;
	s26 =	simm.s32 $0x800;
	[sflag:s14] =	ssyncset.done $0x0  }
.LBB2_4:
0x7c: {  	s28 =	sadd.s32 $0x80, s25  }
0x7d: {  	[sflag:s14] =	ssyncadd.s32 $0xFFFFC000;
	s29 =	smov.u32 s26;
	s30 =	sadd.s32 $0x400, s26  }
0x7e: {  	[tilespmem:s18], [sflag:$0x2] =	stream.indirect.gather [hbm4b:s4+s16], $0x80, s28, s16, $0xb8;
	[tilespmem:$0x1E800] =	vst v63  }
0x7f: {  	p0 =	sne.s32 s26, $0x4800;
	_ =	swait.ge [sflag:s19], $0x4000  }
0x80: {  	[sflag:s19] =	ssyncset.done $0x0  }
0x81: {  	s26 =	sadd.s32 $0x1400, s25;
	[sflag:s19] =	ssyncadd.s32 $0xFFFFC000  }
0x82: {  	[spmem:s2] =	stream.indirect.scatter.add.f32 [tilespmem:s17], [sflag:$0x3], $0x80, s26, s16, $0xb8;
	[tilespmem:$0x1E800] =	vst v63  }
0x83: {  	_ =	swait.ge [sflag:s14], $0x4000  }
0x84: {  	[sflag:s14] =	ssyncset.done $0x0  }
0x85: {  	s26 =	sadd.s32 $0x100, s25;
	[sflag:s14] =	ssyncadd.s32 $0xFFFFC000  }
0x86: {  	[tilespmem:s17], [sflag:$0x1] =	stream.indirect.gather [hbm4b:s4+s16], $0x80, s26, s16, $0xb8;
	[tilespmem:$0x1E800] =	vst v63  }
0x87: {  	_ =	swait.ge [sflag:s20], $0x4000  }
.Ltmp1:
0x88: {  	[sflag:s20] =	ssyncset.done $0x0;
	(pc) =	sbr.rel @p0 .LBB2_4-.Ltmp1, $4  }
0x89: {  	s25 =	sadd.s32 $0x1480, s25;
	[sflag:s20] =	ssyncadd.s32 $0xFFFFC000  }
0x8a: {  	[spmem:s2] =	stream.indirect.scatter.add.f32 [tilespmem:s18], [sflag:$0x3], $0x80, s25, s16, $0xb8;
	[tilespmem:$0x1E800] =	vst v63  }
0x8b: {  	_ =	swait.ge [sflag:s14], $0x4000  }
0x8c: {  	s26 =	smov.u32 s30;
	s25 =	sshra.s32 s29, $0x2;
	[sflag:s14] =	ssyncset.done $0x0  }
0x8d: {  	s26 =	sadd.s32 $0x80, s25;
	[sflag:s14] =	ssyncadd.s32 $0xFFFFC000  }
0x8e: {  	[tilespmem:s18], [sflag:$0x2] =	stream.indirect.gather [hbm4b:s4+s16], $0x80, s26, s16, $0xb8;
	[tilespmem:$0x1E800] =	vst v63  }
0x8f: {  	_ =	swait.ge [sflag:s19], $0x4000  }
0x90: {  	[sflag:s19] =	ssyncset.done $0x0  }
0x91: {  	s29 =	sadd.s32 $0x1400, s25;
	[sflag:s19] =	ssyncadd.s32 $0xFFFFC000  }
0x92: {  	[spmem:s2] =	stream.indirect.scatter.add.f32 [tilespmem:s17], [sflag:$0x3], $0x80, s29, s16, $0xb8;
	[tilespmem:$0x1E800] =	vst v63  }
0x93: {  	_ =	swait.ge [sflag:s14], $0x4000  }
0x94: {  	[sflag:s14] =	ssyncset.done $0x0  }
0x95: {  	s30 =	sadd.s32 $0x100, s25;
	[sflag:s14] =	ssyncadd.s32 $0xFFFFC000  }
0x96: {  	[tilespmem:s17], [sflag:$0x1] =	stream.indirect.gather [hbm4b:s4+s16], $0x80, s30, s16, $0xb8;
	[tilespmem:$0x1E800] =	vst v63  }
0x97: {  	_ =	swait.ge [sflag:s20], $0x4000  }
0x98: {  	[sflag:s20] =	ssyncset.done $0x0  }
0x99: {  	s31 =	sadd.s32 $0x1480, s25;
	[sflag:s20] =	ssyncadd.s32 $0xFFFFC000  }
0x9a: {  	[spmem:s2] =	stream.indirect.scatter.add.f32 [tilespmem:s18], [sflag:$0x3], $0x80, s31, s16, $0xb8;
	[tilespmem:$0x1E800] =	vst v63  }
0x9b: {  	_ =	swait.ge [sflag:s14], $0x4000  }
0x9c: {  	[sflag:s14] =	ssyncset.done $0x0  }
0x9d: {  	[sflag:s14] =	ssyncadd.s32 $0xFFFFC000  }
0x9e: {  	[tilespmem:s18], [sflag:$0x2] =	stream.indirect.gather [hbm4b:s4+s16], $0x80, s21, s16, $0xb8;
	[tilespmem:$0x1E800] =	vst v63  }
0x9f: {  	_ =	swait.ge [sflag:s19], $0x4000  }
0xa0: {  	[sflag:s19] =	ssyncset.done $0x0  }
0xa1: {  	[sflag:s19] =	ssyncadd.s32 $0xFFFFC000  }
0xa2: {  	[spmem:s2] =	stream.indirect.scatter.add.f32 [tilespmem:s17], [sflag:$0x3], $0x80, s22, s16, $0xb8;
	[tilespmem:$0x1E800] =	vst v63  }
0xa3: {  	_ =	swait.ge [sflag:s14], $0x4000  }
0xa4: {  	[sflag:s14] =	ssyncset.done $0x0  }
0xa5: {  	[sflag:s14] =	ssyncadd.s32 $0xFFFFC000  }
0xa6: {  	_ =	swait.ge [sflag:s20], $0x4000  }
0xa7: {  	[sflag:s20] =	ssyncset.done $0x0  }
0xa8: {  	[sflag:s20] =	ssyncadd.s32 $0xFFFFC000  }
0xa9: {  	[spmem:s2] =	stream.indirect.scatter.add.f32 [tilespmem:s18], [sflag:$0x3], $0x80, s23, s16, $0xb8;
	[tilespmem:$0x1E800] =	vst v63  }
0xaa: {  	_ =	swait.ge [sflag:s14], $0x4000  }
0xab: {  	s24 =	sadd.s32 $0x1, s24;
	[sflag:s14] =	ssyncset.done $0x0  }
0xac: {  	p0 =	sne.s32 s24, s12;
	[sflag:s14] =	ssyncadd.s32 $0xFFFFC000  }
.Ltmp2:
0xad: {  	[bflag:$0x0] =	sbarrier.arrive $0xFFFF;
	(pc) =	sbr.rel @p0 .LBB2_1-.Ltmp2, $4  }
0xae: {  	[hbm:s11], [sflag:s6] =	dma.local [spmem:s13], $0x2800  }
0xaf: {  	_ =	swait.ge [sflag:s14], $0x2800  }
0xb0: {  	[sflag:s14] =	ssyncset.done $0x0  }
0xb1: {  	[sflag:s14] =	ssyncadd.s32 $0xFFFFD800  }
0xb2: {  	_ =	sfence.sel $0x180000  }
0xb3: {  	[bflag:$0x0] =	sbarrier.arrive $0xFFFF  }
0xb4: {  	p0 =	sne.s32 s1, $0x0;
	_ =	strace $0x9000004D  }
0xb5: {  	s0 =	sadd.s32 @!p0 $0x100000, s0;
	[bflag:$0x2] =	sbarrier.arrive $0xFFFF  }
0xb6: {  	[sflag:s0] =	ssyncadd.tile.s32 @!p0 $0x1;
	_ =	shalt  }
.Lfunc_end2:
_tile_overlayer_lowered:
.L_overlay_start_2:
0xb7: {  	(tag) =	ssettag $0x2  }
0xb8: {  	s0 =	rddreg [dreg:$0x0];
	s2 =	stileid.u32  }
0xb9: {  	s1 =	rddreg [dreg:$0x1];
	p0 =	sne.s32 s2, $0x0  }
0xba: {  	s3 =	rddreg [dreg:$0x2];
	[bflag:$0x3] =	sbarrier.arrive $0xFFFF;
	s2 =	simm.s32 @!p0 $0x1C03  }
0xbb: {  	[timem:s3], [sflag:s2] =	dma.local @!p0 [hbm:s0], s1  }
0xbc: {  	s0 =	simm.s32 @!p0 $0x3  }
0xbd: {  	_ =	swait.ge @!p0 [sflag:s0], s1  }
0xbe: {  	s1 =	ssub.s32 @!p0 $0x0, s1;
	[sflag:s0] =	ssyncset.done @!p0 $0x0  }
0xbf: {  	[sflag:s0] =	ssyncadd.s32 @!p0 s1  }
0xc0: {  	[bflag:$0x3] =	sbarrier.arrive $0xFFFF  }
0xc1: {  	_ =	shalt  }

// kernel: kernel.8.cloned.1.call-start
scs
__scs_entry_jumppad:
0x0: {  	(pc) =	sbr.rel $0x88, $3  }
0x1: {  	(tag) =	ssettag $0x0;
	lr =	simm.s32 $0x1  }
0x2: {  	[smem:$0x3F99] =	sst lr;
	_ =	strace $0xD0000000  }
0x3: {  	_ = 	snop  }
0x4: {  	_ = 	snop  }
0x5: {  	_ = 	snop  }
0x6: {  	_ = 	snop  }
0x7: {  	_ = 	snop  }
__scs_overlays_trampoline_lowered:
0x8: {  	[smem:$0x3FA8] =	sst s0  }
0x9: {  	[smem:$0x3FA9] =	sst s1  }
0xa: {  	[smem:$0x3FAA] =	sst s2  }
0xb: {  	[smem:$0x3FAB] =	sst s3  }
0xc: {  	[smem:$0x3FAC] =	sst s4  }
0xd: {  	[smem:$0x3FAD] =	sst s5  }
0xe: {  	[smem:$0x3FAE] =	sst s6  }
0xf: {  	[smem:$0x3FAF] =	sst s7  }
0x10: {  	[smem:$0x3FB0] =	sst s8  }
0x11: {  	[smem:$0x3FB1] =	sst s9;
	s0 =	simm.s32 @!p0 $0x0  }
0x12: {  	s1 =	sld [smem:$0x3F97];
	s0 =	simm.s32 @p0 $0x1  }
0x13: {  	[smem:$0x3FB2] =	sst s0;
	s0 =	simm.s32 @!p1 $0x0  }
0x14: {  	s2 =	sld [smem:$0x3F96];
	s0 =	simm.s32 @p1 $0x1  }
0x15: {  	[smem:$0x3FB3] =	sst s0;
	s0 =	simm.s32 @!p2 $0x0  }
0x16: {  	s3 =	sld [smem:$0x3FDB];
	s0 =	simm.s32 @p2 $0x1  }
0x17: {  	s4 =	simm.s32 $0x1BF5;
	[smem:$0x3FB5] =	sst s0  }
0x18: {  	s0 =	sld [smem:$0x3F98];
	_ =	swait.ge [sflag:s4], $0x0  }
0x19: {  	s7 =	sld [smem:$0x3F99]  }
0x1a: {  	s8 =	sadd.s32 $0xFFFFE003, lr  }
0x1b: {  	s9 =	sadd.s32 $0xFFFFFEF7, lr;
	s5 =	simm.s32 $0xFFFFFFFF;
	p2 =	slt.u32 s8, $0xFFFFF086  }
0x1c: {  	p1 =	slt.u32 s9, $0xF7A;
	s5 =	simm.s32 @!p2 $0x0  }
0x1d: {  	s5 =	simm.s32 @p1 $0x1;
	p0 =	seq.s32 s7, s2  }
0x1e: {  	s7 =	smul.u32 @!p0 $0xF7A, s2;
	p2 =	seq.s32 @!p0 s5, $0x0  }
0x1f: {  	s9 =	smul.u32 $0xF7A, s1;
	s8 =	simm.s32 @!p0 $0x1BF5;
	p2 =	por !p2, p0  }
0x20: {  	[sflag:s8] =	ssyncset.s32 @!p0 $0xFFFFF086;
	s6 =	sadd.s32 @!p0 s3, s7;
	s7 =	simm.s32 @!p0 $0x108  }
0x21: {  	s3 =	sadd.s32 s3, s9;
	s6 =	sadd.s32 @!p0 $0x88, s6;
	s7 =	simm.s32 @p2 $0x1082  }
0x22: {  	[simem:s7], [sflag:s8] =	dma.local @!p0 [hbm:s6], $0xF7A  }
0x23: {  	s9 =	sor.u32 $0xD0000000, s2;
	s6 =	simm.s32 $0x108;
	_ =	swait.ge @!p0 [sflag:s8], $0x0  }
0x24: {  	s3 =	sadd.s32 $0x88, s3;
	s6 =	simm.s32 @!p1 $0x1082;
	[sflag:s4] =	ssyncset.s32 $0xFFFFF086  }
0x25: {  	[simem:s6], [sflag:s4] =	dma.local [hbm:s3], $0xF7A  }
0x26: {  	[smem:$0x3F99] =	sst s1;
	(tag) =	ssettag s2;
	_ =	strace s9  }
0x27: {  	s1 =	sld [smem:$0x3FA9]  }
0x28: {  	s2 =	sld [smem:$0x3FAA]  }
0x29: {  	s4 =	sld [smem:$0x3FAC]  }
0x2a: {  	p0 =	seq.s32 s5, $0x0;
	s5 =	sld [smem:$0x3FAD]  }
0x2b: {  	s6 =	sld [smem:$0x3FAE]  }
0x2c: {  	s7 =	sld [smem:$0x3FAF]  }
0x2d: {  	s3 =	simm.s32 $0x108;
	s8 =	sld [smem:$0x3FB0]  }
0x2e: {  	s3 =	simm.s32 @!p0 $0x1082;
	s9 =	sld [smem:$0x3FB1]  }
0x2f: {  	lr =	sadd.s32 s0, s3;
	s0 =	sld [smem:$0x3FA8]  }
0x30: {  	s3 =	sld [smem:$0x3FAB]  }
0x31: {  	[smem:$0x3FB4] =	sst s10  }
0x32: {  	s10 =	sld [smem:$0x3FB2];
	_ =	sdelay $0x3  }
0x33: {  	p0 =	seq.s32 s10, $0x1;
	s10 =	sld [smem:$0x3FB4];
	_ =	sdelay $0x3  }
0x34: {  	[smem:$0x3FB4] =	sst s10  }
0x35: {  	s10 =	sld [smem:$0x3FB3];
	_ =	sdelay $0x3  }
0x36: {  	p1 =	seq.s32 s10, $0x1;
	s10 =	sld [smem:$0x3FB4];
	_ =	sdelay $0x3  }
0x37: {  	[smem:$0x3FB4] =	sst s10  }
0x38: {  	s10 =	sld [smem:$0x3FB5]  }
0x39: {  	_ = 	snop;
	(pc) =	sbr.ind lr, $3  }
0x3a: {  	_ = 	snop  }
0x3b: {  	_ = 	snop  }
0x3c: {  	p2 =	seq.s32 s10, $0x1;
	s10 =	sld [smem:$0x3FB4]  }
0x3d: {  	_ =	shalt  }
0x3e: {  	_ =	shalt  }
0x3f: {  	_ =	shalt  }
0x40: {  	_ =	shalt  }
0x41: {  	_ =	shalt  }
0x42: {  	_ =	shalt  }
0x43: {  	_ =	shalt  }
0x44: {  	_ =	shalt  }
0x45: {  	_ =	shalt  }
0x46: {  	_ =	shalt  }
0x47: {  	_ =	shalt  }
0x48: {  	_ =	shalt  }
0x49: {  	_ =	shalt  }
0x4a: {  	_ =	shalt  }
0x4b: {  	_ =	shalt  }
0x4c: {  	_ =	shalt  }
0x4d: {  	_ =	shalt  }
0x4e: {  	_ =	shalt  }
0x4f: {  	_ =	shalt  }
0x50: {  	_ =	shalt  }
0x51: {  	_ =	shalt  }
0x52: {  	_ =	shalt  }
0x53: {  	_ =	shalt  }
0x54: {  	_ =	shalt  }
0x55: {  	_ =	shalt  }
0x56: {  	_ =	shalt  }
0x57: {  	_ =	shalt  }
0x58: {  	_ =	shalt  }
0x59: {  	_ =	shalt  }
0x5a: {  	_ =	shalt  }
0x5b: {  	_ =	shalt  }
0x5c: {  	_ =	shalt  }
0x5d: {  	_ =	shalt  }
0x5e: {  	_ =	shalt  }
0x5f: {  	_ =	shalt  }
0x60: {  	_ =	shalt  }
0x61: {  	_ =	shalt  }
0x62: {  	_ =	shalt  }
0x63: {  	_ =	shalt  }
0x64: {  	_ =	shalt  }
0x65: {  	_ =	shalt  }
0x66: {  	_ =	shalt  }
0x67: {  	_ =	shalt  }
0x68: {  	_ =	shalt  }
0x69: {  	_ =	shalt  }
0x6a: {  	_ =	shalt  }
0x6b: {  	_ =	shalt  }
0x6c: {  	_ =	shalt  }
0x6d: {  	_ =	shalt  }
0x6e: {  	_ =	shalt  }
0x6f: {  	_ =	shalt  }
0x70: {  	_ =	shalt  }
0x71: {  	_ =	shalt  }
0x72: {  	_ =	shalt  }
0x73: {  	_ =	shalt  }
0x74: {  	_ =	shalt  }
0x75: {  	_ =	shalt  }
0x76: {  	_ =	shalt  }
0x77: {  	_ =	shalt  }
0x78: {  	_ =	shalt  }
0x79: {  	_ =	shalt  }
0x7a: {  	_ =	shalt  }
0x7b: {  	_ =	shalt  }
0x7c: {  	_ =	shalt  }
0x7d: {  	_ =	shalt  }
0x7e: {  	_ =	shalt  }
0x7f: {  	_ =	shalt  }
0x80: {  	_ =	shalt  }
0x81: {  	_ =	shalt  }
0x82: {  	_ =	shalt  }
0x83: {  	_ =	shalt  }
0x84: {  	_ =	shalt  }
0x85: {  	_ =	shalt  }
0x86: {  	_ =	shalt  }
0x87: {  	_ =	shalt  }
.Lfunc_end0:
.L_simem_size_0:
called_computation_lowered:
.L_overlay_start_0:
0x88: {  	s2 =	sld [smem:$0x3FD9]  }
0x89: {  	s3 =	sld [smem:$0x3FFE];
	_ =	sdelay $0x1  }
0x8a: {  	s1 =	srdreg.scid  }
0x8b: {  	s0 =	sand.u32 $0x1, s1  }
0x8c: {  	s17 =	sshll.u32 s0, $0xA;
	s2 =	sadd.s32 s3, s2  }
0x8d: {  	s2 =	sadd.s32 s2, s17  }
0x8e: {  	[smem:$0x3FC0] =	sst s2  }
0x8f: {  	_ = 	snop  }
0x90: {  	s2 =	sld [smem:$0x3FD0];
	(tm) =	ssettm $0x1  }
0x91: {  	s18 =	sld [smem:$0x3FFB];
	_ =	sdelay $0x3  }
0x92: {  	_ =	strace s18  }
0x93: {  	s3 =	sld [smem:$0x3FFC];
	_ =	sdelay $0x3  }
0x94: {  	_ =	strace s3  }
0x95: {  	s3 =	sld [smem:$0x3FFD];
	_ =	sdelay $0x3  }
0x96: {  	_ =	strace s3  }
0x97: {  	_ =	strace $0x8FFFFFFF  }
0x98: {  	s19 =	sld [smem:$0x3FDB];
	_ =	sdelay $0x1  }
0x99: {  	s4 =	simm.s32 $_scs_section_size  }
0x9a: {  	s5 =	simm.s32 $_size__tile_overlayer_lowered;
	s6 =	simm.s32 $_tile_overlayer_lowered  }
0x9b: {  	s22 =	simm.s32 $0x1BFF;
	s21 =	sshll.u32 s6, $0x1;
	s3 =	sadd.s32 s4, s19  }
0x9c: {  	s7 =	simm.s32 $0x0;
	s20 =	sshll.u32 s5, $0x1;
	s5 =	sadd.s32 s21, s3  }
0x9d: {  	[timem:s7], [sflag:s22] =	dma.local [hbm:s5], s20  }
0x9e: {  	_ =	swait.ge [sflag:s22], s20  }
0x9f: {  	s4 =	ssub.s32 $0x0, s20;
	[sflag:s22] =	ssyncset.done $0x0  }
0xa0: {  	[sflag:s22] =	ssyncadd.s32 s4;
	_ =	sdelay $0x1  }
0xa1: {  	s23 =	simm.s32 $0x1B8B  }
0xa2: {  	_ =	swait.ge [sflag:s23], $0x1  }
0xa3: {  	[sflag:s23] =	ssyncset.done $0x0  }
0xa4: {  	s25 =	simm.s32 $0x1B8E;
	s24 =	sld [smem:$0x3FFE];
	[sflag:s23] =	ssyncadd.s32 $0xFFFFFFFF  }
0xa5: {  	s26 =	simm.s32 $execute0_lowered;
	[smem:$0x3FD2] =	sst s25  }
0xa6: {  	s5 =	sshll.u32 s26, $0x1;
	_ =	strace $0x80000046;
	[dreg:$0x1] =	wrdreg $0xFFFFFFFF  }
0xa7: {  	s28 =	simm.s32 $_size_execute0_lowered;
	s3 =	sadd.s32 s3, s5;
	[dreg:$0x0] =	wrdreg $0x0  }
0xa8: {  	s5 =	sshll.u32 s28, $0x1;
	[dreg:$0x2] =	wrdreg s3  }
0xa9: {  	[dreg:$0x3] =	wrdreg s5  }
0xaa: {  	[dreg:$0x4] =	wrdreg $0xC0  }
0xab: {  	_ =	task [dreg:s7], $0x5FFFF  }
0xac: {  	[dreg:$0x1] =	wrdreg $0xFFFFFFFF  }
0xad: {  	[dreg:$0x0] =	wrdreg $0x60  }
0xae: {  	[dreg:$0x2] =	wrdreg s24  }
0xaf: {  	[dreg:$0x3] =	wrdreg s2  }
0xb0: {  	[dreg:$0x4] =	wrdreg $0x50800  }
0xb1: {  	[dreg:$0x5] =	wrdreg $0x53000  }
0xb2: {  	[dreg:$0x6] =	wrdreg $0x9  }
0xb3: {  	_ =	task.clear_ibuf [dreg:s7], $0x7FFFF;
	_ =	strace $0x90000046  }
0xb4: {  	s29 =	simm.s32 $0x9;
	_ =	strace $0x80000048  }
0xb5: {  	_ =	swait.ge [sflag:s29], $0x1  }
0xb6: {  	[sflag:s29] =	ssyncadd.s32 $0xFFFFFFFF  }
0xb7: {  	_ =	strace $0x90000048  }
0xb8: {  	_ =	sfence  }
0xb9: {  	s30 =	sld [smem:$0x0];
	_ =	sdelay $0x2  }
0xba: {  	s31 =	sshll.u32 s1, $0xD;
	s1 =	sshrl.u32 s1, $0x2  }
0xbb: {  	s3 =	sand.u32 $0x4000, s31;
	s1 =	sadd.s32 s1, s30  }
0xbc: {  	s0 =	sor.u32 s3, s0;
	s1 =	sshll.u32 s1, $0x11  }
0xbd: {  	s0 =	sor.u32 s1, s0  }
0xbe: {  	s0 =	sadd.s32 $0x8F2B, s0  }
0xbf: {  	[sflag:s0] =	ssyncadd.remote.s32 $0x1  }
0xc0: {  	_ =	sfence.sel $0xFFFF  }
0xc1: {  	[dreg:$0x0] =	wrdreg $0xFFFFFFFF;
	(pc) =	sbr.abs _section_cstart, $3  }
0xc2: {  	[dreg:$0x1] =	wrdreg $0xFFFFFFFF  }
0xc3: {  	_ =	task.clear_ibuf [dreg:s7], $0x2FFFF;
	_ =	strace $0x9FFFFFFF  }
0xc4: {  	(tm) =	ssettm $0x7FFFFFFF  }
0xc5: {  	_ =	shalt  }
tec
execute0_lowered:
.L_overlay_start_1:
0x0: {  	(tag) =	ssettag $0x1  }
0x1: {  	s6 =	rddreg [dreg:$0x0]  }
0x2: {  	s1 =	rddreg [dreg:$0x1]  }
0x3: {  	s3 =	rddreg [dreg:$0x2]  }
0x4: {  	s0 =	srdreg.scid;
	s4 =	rddreg [dreg:$0x3]  }
0x5: {  	s5 =	simm.s32 $0x0;
	s16 =	simm.s32 $0x5000;
	s17 =	simm.s32 $0x2800  }
0x6: {  	s18 =	simm.s32 $0x80;
	s19 =	simm.s32 $0x1;
	s20 =	simm.s32 $0x2  }
0x7: {  	s21 =	simm.s32 $0x0;
	s7 =	sand.u32 $0x1, s0;
	s0 =	stileid.u32  }
0x8: {  	[smem:$0x7FF] =	sst s5;
	s2 =	sshll.u32 s7, $0x4;
	s9 =	smul.u32 $0x280, s0  }
0x9: {  	s10 =	smul.u32 $0x5000, s7;
	s7 =	ssub.s32 $0x2, s7;
	s2 =	sor.u32 s0, s2  }
0xa: {  	s31 =	sshll.u32 s0, $0x6;
	s12 =	sshrl.u32 s7, $0x1;
	s8 =	smul.u32 $0x500, s2  }
0xb: {  	s2 =	rddreg [dreg:$0x4];
	_ =	strace $0x80000047;
	s30 =	sshrl.u32 s9, $0x3  }
0xc: {  	s10 =	sadd.s32 s9, s10;
	s12 =	ssub.s32 s7, s12;
	s14 =	sadd.s32 s9, s3  }
0xd: {  	s7 =	sor.u32 $0x1C03, s31;
	s15 =	sadd.s32 s9, s4;
	s10 =	sshrl.u32 s10, $0x3  }
0xe: {  	s12 =	smax.u32 s12, $0x1;
	s11 =	sadd.s32 s8, s6;
	s8 =	sadd.s32 s30, s6  }
0xf: {  	s15 =	sshrl.u32 s15, $0x3;
	s13 =	sadd.s32 s10, s6;
	s6 =	sadd.s32 $0x16A00, s8  }
0x10: {  	s8 =	sadd.s32 $0xCA00, s11;
	s9 =	sadd.s32 $0x2A00, s11;
	s10 =	sadd.s32 $0x17000, s13  }
0x11: {  	s11 =	sadd.s32 $0x17500, s13;
	s13 =	sshrl.u32 s14, $0x3;
	s14 =	simm.s32 $0x3  }
.LBB2_1:
0x12: {  	[spmem:s13], [sflag:s7] =	dma.local [hbm:s6], $0x50  }
0x13: {  	_ =	swait.ge [sflag:s14], $0x50  }
0x14: {  	[sflag:s14] =	ssyncset.done $0x0  }
0x15: {  	[sflag:s14] =	ssyncadd.s32 $0xFFFFFFB0  }
0x16: {  	[spmem:s15], [sflag:s7] =	dma.local [hbm:s6], $0x50  }
0x17: {  	_ =	swait.ge [sflag:s14], $0x50  }
0x18: {  	[sflag:s14] =	ssyncset.done $0x0  }
0x19: {  	[sflag:s14] =	ssyncadd.s32 $0xFFFFFFB0  }
0x1a: {  	[tilespmem:s16], [sflag:$0x3] =	stream.linear.gather [hbm4b:s1+s5], $0x80, $0x38;
	[tilespmem:$0x5580] =	vst v63  }
0x1b: {  	_ =	swait.ge [sflag:s14], $0x80  }
0x1c: {  	[sflag:s14] =	ssyncset.done $0x0  }
0x1d: {  	[sflag:s14] =	ssyncadd.s32 $0xFFFFFF80  }
0x1e: {  	[tilespmem:s5], [sflag:$0x3] =	stream.linear.gather [hbm4b:s8+s5], $0x2800, $0x38;
	[tilespmem:$0x5580] =	vst v63  }
0x1f: {  	_ =	swait.ge [sflag:s14], $0x2800  }
0x20: {  	[sflag:s14] =	ssyncset.done $0x0  }
0x21: {  	[sflag:s14] =	ssyncadd.s32 $0xFFFFD800  }
0x22: {  	[tilespmem:s17], [sflag:$0x3] =	stream.linear.gather [hbm4b:s9+s5], $0x2800, $0x38;
	[tilespmem:$0x5580] =	vst v63  }
0x23: {  	_ =	swait.ge [sflag:s14], $0x2800  }
0x24: {  	[sflag:s14] =	ssyncset.done $0x0  }
0x25: {  	[sflag:s14] =	ssyncadd.s32 $0xFFFFD800  }
0x26: {  	[bflag:$0x0] =	sbarrier.arrive $0xFFFF  }
0x27: {  	[spmem:s3] =	stream.indirect.scatter.add.f32 [tilespmem:s16], [sflag:$0x1], $0x1, s5, s18, $0xb8;
	[tilespmem:$0x5580] =	vst v63  }
0x28: {  	_ = 	snop  }
0x29: {  	[spmem:s4] =	stream.indirect.scatter.add.f32 [tilespmem:s16], [sflag:$0x2], $0x1, s17, s18, $0xb8;
	[tilespmem:$0x5580] =	vst v63  }
0x2a: {  	_ =	swait.ge [sflag:s19], $0x80  }
0x2b: {  	[sflag:s19] =	ssyncset.done $0x0  }
0x2c: {  	[sflag:s19] =	ssyncadd.s32 $0xFFFFFF80  }
0x2d: {  	_ =	swait.ge [sflag:s20], $0x80  }
0x2e: {  	[sflag:s20] =	ssyncset.done $0x0  }
0x2f: {  	s22 =	simm.s32 $0x80;
	[sflag:s20] =	ssyncadd.s32 $0xFFFFFF80  }
0x30: {  	[spmem:s3] =	stream.indirect.scatter.add.f32 [tilespmem:s16], [sflag:$0x1], $0x1, s22, s18, $0xb8;
	[tilespmem:$0x5580] =	vst v63  }
0x31: {  	s23 =	simm.s32 $0x2880;
	s22 =	simm.s32 $0x400  }
.LBB2_2:
0x32: {  	[spmem:s4] =	stream.indirect.scatter.add.f32 [tilespmem:s16], [sflag:$0x2], $0x1, s23, s18, $0xb8;
	[tilespmem:$0x5580] =	vst v63  }
0x33: {  	s23 =	smov.u32 s22  }
0x34: {  	p0 =	sne.s32 s22, $0x9E00;
	s22 =	sadd.s32 $0x200, s22;
	_ =	swait.ge [sflag:s19], $0x80  }
0x35: {  	[sflag:s19] =	ssyncset.done $0x0  }
0x36: {  	[sflag:s19] =	ssyncadd.s32 $0xFFFFFF80  }
.Ltmp0:
0x37: {  	_ =	swait.ge [sflag:s20], $0x80;
	(pc) =	sbr.rel @p0 .LBB2_2-.Ltmp0, $4  }
0x38: {  	[sflag:s20] =	ssyncset.done $0x0  }
0x39: {  	s23 =	sshra.s32 s23, $0x2;
	[sflag:s20] =	ssyncadd.s32 $0xFFFFFF80  }
0x3a: {  	[spmem:s3] =	stream.indirect.scatter.add.f32 [tilespmem:s16], [sflag:$0x1], $0x1, s23, s18, $0xb8;
	[tilespmem:$0x5580] =	vst v63  }
0x3b: {  	s23 =	sadd.s32 $0x2800, s23  }
0x3c: {  	[spmem:s4] =	stream.indirect.scatter.add.f32 [tilespmem:s16], [sflag:$0x2], $0x1, s23, s18, $0xb8;
	[tilespmem:$0x5580] =	vst v63  }
0x3d: {  	_ =	swait.ge [sflag:s19], $0x80  }
0x3e: {  	[sflag:s19] =	ssyncset.done $0x0  }
0x3f: {  	[sflag:s19] =	ssyncadd.s32 $0xFFFFFF80  }
0x40: {  	_ =	swait.ge [sflag:s20], $0x80  }
0x41: {  	[sflag:s20] =	ssyncset.done $0x0  }
0x42: {  	[sflag:s20] =	ssyncadd.s32 $0xFFFFFF80  }
0x43: {  	[bflag:$0x0] =	sbarrier.arrive $0xFFFF  }
0x44: {  	[hbm:s10], [sflag:s7] =	dma.local [spmem:s13], $0x50  }
0x45: {  	s21 =	sadd.s32 $0x1, s21;
	_ =	swait.ge [sflag:s14], $0x50  }
0x46: {  	p0 =	sne.s32 s21, s12;
	[sflag:s14] =	ssyncset.done $0x0  }
.Ltmp1:
0x47: {  	[sflag:s14] =	ssyncadd.s32 $0xFFFFFFB0;
	(pc) =	sbr.rel @p0 .LBB2_1-.Ltmp1, $4  }
0x48: {  	[hbm:s11], [sflag:s7] =	dma.local [spmem:s15], $0x50  }
0x49: {  	_ =	swait.ge [sflag:s14], $0x50  }
0x4a: {  	[sflag:s14] =	ssyncset.done $0x0  }
0x4b: {  	[sflag:s14] =	ssyncadd.s32 $0xFFFFFFB0  }
0x4c: {  	_ =	sfence.sel $0x180000  }
0x4d: {  	[bflag:$0x0] =	sbarrier.arrive $0xFFFF  }
0x4e: {  	p0 =	sne.s32 s0, $0x0;
	_ =	strace $0x90000047  }
0x4f: {  	s0 =	sadd.s32 @!p0 $0x100000, s2;
	[bflag:$0x2] =	sbarrier.arrive $0xFFFF  }
0x50: {  	[sflag:s0] =	ssyncadd.tile.s32 @!p0 $0x1;
	_ =	shalt  }
.Lfunc_end2:
_tile_overlayer_lowered:
.L_overlay_start_2:
0x51: {  	(tag) =	ssettag $0x2  }
0x52: {  	s0 =	rddreg [dreg:$0x0];
	s2 =	stileid.u32  }
0x53: {  	s1 =	rddreg [dreg:$0x1];
	p0 =	sne.s32 s2, $0x0  }
0x54: {  	s3 =	rddreg [dreg:$0x2];
	[bflag:$0x3] =	sbarrier.arrive $0xFFFF;
	s2 =	simm.s32 @!p0 $0x1C03  }
0x55: {  	[timem:s3], [sflag:s2] =	dma.local @!p0 [hbm:s0], s1  }
0x56: {  	s0 =	simm.s32 @!p0 $0x3  }
0x57: {  	_ =	swait.ge @!p0 [sflag:s0], s1  }
0x58: {  	s1 =	ssub.s32 @!p0 $0x0, s1;
	[sflag:s0] =	ssyncset.done @!p0 $0x0  }
0x59: {  	[sflag:s0] =	ssyncadd.s32 @!p0 s1  }
0x5a: {  	[bflag:$0x3] =	sbarrier.arrive $0xFFFF  }
0x5b: {  	_ =	shalt  }

</sc_bundles>
